<compile_context>
chip_gen: v7x
topology: tpu7x:2x2x1
jax: 0.10.2.dev20260603
libtpu: 0.0.44.dev20260713+nightly
codegen_flags: <defaults>
</compile_context>

<pallas_src>
import jax
import jax.numpy as jnp
from jax import lax
from jax.experimental import pallas as pl
from jax.experimental.pallas import tpu as pltpu
from jax.experimental.pallas import tpu_sc as plsc

E = 16
TOPK = 2
D = 1024
FF = 2048
T = 128
NB = T // 16

FFB = 1024
NFF = FF // FFB

_NC = 2
_NS = 16


def _route_sc_body(ltr_hbm, gout_hbm, lbuf, gbuf, sem):
    wid = lax.axis_index("s") * _NC + lax.axis_index("c")

    @pl.when(wid < NB)
    def _():
        base = wid * 16
        pltpu.sync_copy(ltr_hbm, lbuf)
        cols = [lbuf[e, pl.ds(base, 16)] for e in range(E)]
        m1 = cols[0]
        i1 = jnp.zeros((16,), jnp.int32)
        for e in range(1, E):
            better = cols[e] > m1
            m1 = jnp.where(better, cols[e], m1)
            i1 = jnp.where(better, e, i1)
        neg = jnp.full((16,), -jnp.inf, jnp.float32)
        m2 = jnp.where(i1 == 0, neg, cols[0])
        i2 = jnp.zeros((16,), jnp.int32)
        for e in range(1, E):
            ce = jnp.where(i1 == e, neg, cols[e])
            better = ce > m2
            m2 = jnp.where(better, ce, m2)
            i2 = jnp.where(better, e, i2)
        ga = 1.0 / (1.0 + jnp.exp(m2 - m1))
        zero = jnp.zeros((16,), jnp.float32)
        for e in range(E):
            gbuf[e, :] = (jnp.where(i1 == e, ga, zero)
                          + jnp.where(i2 == e, 1.0 - ga, zero))
        pltpu.sync_copy(gbuf, gout_hbm.at[wid])


def _route_sc(router_logits):
    mesh = plsc.VectorSubcoreMesh(core_axis_name="c", subcore_axis_name="s")
    fn = pl.kernel(
        _route_sc_body,
        mesh=mesh,
        out_type=jax.ShapeDtypeStruct((NB, E, 16), jnp.float32),
        scratch_types=[
            pltpu.VMEM((E, T), jnp.float32),
            pltpu.VMEM((E, 16), jnp.float32),
            pltpu.SemaphoreType.DMA,
        ],
    )
    return fn(router_logits.T)


def _gate_from_logits(logits):
    probs = jax.nn.softmax(logits.astype(jnp.float32), axis=-1)
    col = lax.broadcasted_iota(jnp.int32, (T, E), 1)
    m1 = jnp.max(probs, axis=-1, keepdims=True)
    i1 = jnp.min(jnp.where(probs == m1, col, E), axis=-1, keepdims=True)
    p2 = jnp.where(col == i1, -jnp.inf, probs)
    m2 = jnp.max(p2, axis=-1, keepdims=True)
    i2 = jnp.min(jnp.where(p2 == m2, col, E), axis=-1, keepdims=True)
    s = m1 + m2
    return jnp.where(col == i1, m1 / s, 0.0) + jnp.where(col == i2, m2 / s, 0.0)


def _swiglu(x, w1_ref, w3_ref):
    dn = (((1,), (1,)), ((), ()))
    g = lax.dot_general(x, w1_ref[0], dn, preferred_element_type=jnp.float32)
    u = lax.dot_general(x, w3_ref[0], dn, preferred_element_type=jnp.float32)
    return g * (1.0 / (1.0 + jnp.exp(-g))) * u


def _moe_body_a(logits_ref, x_ref, w1_ref, w3_ref, w2_ref, out_ref):
    ff = pl.program_id(0)

    @pl.when(ff == 0)
    def _():
        out_ref[...] = jnp.zeros_like(out_ref)

    act = _swiglu(x_ref[...], w1_ref, w3_ref)
    gcol = _gate_from_logits(logits_ref[...])[:, 0:1]
    dn = (((1,), (1,)), ((), ()))
    out_ref[...] += lax.dot_general(act * gcol, w2_ref[0], dn,
                                    preferred_element_type=jnp.float32)


def _moe_body_b(gate_ref, prev_ref, x_ref, w1_ref, w3_ref, w2_ref, out_ref):
    ei = pl.program_id(0)
    ff = pl.program_id(1)
    e = ei + 1

    @pl.when((ei == 0) & (ff == 0))
    def _():
        out_ref[...] = prev_ref[...]

    act = _swiglu(x_ref[...], w1_ref, w3_ref)

    g2 = gate_ref[...].reshape(NB * E, 16)
    trow = lax.broadcasted_iota(jnp.int32, (T, NB * E), 0)
    ccol = lax.broadcasted_iota(jnp.int32, (T, NB * E), 1)
    a1 = (ccol == (trow // 16) * E + e).astype(jnp.float32)
    p = lax.dot_general(a1, g2, (((1,), (0,)), ((), ())),
                        preferred_element_type=jnp.float32)
    ti = lax.broadcasted_iota(jnp.int32, (T, 16), 0)
    li = lax.broadcasted_iota(jnp.int32, (T, 16), 1)
    gcol = jnp.sum(jnp.where(li == ti % 16, p, 0.0), axis=-1, keepdims=True)

    dn = (((1,), (1,)), ((), ()))
    out_ref[...] += lax.dot_general(act * gcol, w2_ref[0], dn,
                                    preferred_element_type=jnp.float32)


def kernel(hidden_states, router_logits, w13, w2):
    gate = _route_sc(router_logits)

    out0 = pl.pallas_call(
        _moe_body_a,
        grid=(NFF,),
        in_specs=[
            pl.BlockSpec((T, E), lambda ff: (0, 0)),
            pl.BlockSpec((T, D), lambda ff: (0, 0)),
            pl.BlockSpec((1, FFB, D), lambda ff: (0, ff, 0)),
            pl.BlockSpec((1, FFB, D), lambda ff: (0, NFF + ff, 0)),
            pl.BlockSpec((1, D, FFB), lambda ff: (0, 0, ff)),
        ],
        out_specs=pl.BlockSpec((T, D), lambda ff: (0, 0)),
        out_shape=jax.ShapeDtypeStruct((T, D), jnp.float32),
        compiler_params=pltpu.CompilerParams(
            dimension_semantics=("arbitrary",)),
    )(router_logits, hidden_states, w13, w13, w2)

    return pl.pallas_call(
        _moe_body_b,
        grid=(E - 1, NFF),
        in_specs=[
            pl.BlockSpec((NB, E, 16), lambda ei, ff: (0, 0, 0)),
            pl.BlockSpec((T, D), lambda ei, ff: (0, 0)),
            pl.BlockSpec((T, D), lambda ei, ff: (0, 0)),
            pl.BlockSpec((1, FFB, D), lambda ei, ff: (ei + 1, ff, 0)),
            pl.BlockSpec((1, FFB, D), lambda ei, ff: (ei + 1, NFF + ff, 0)),
            pl.BlockSpec((1, D, FFB), lambda ei, ff: (ei + 1, 0, ff)),
        ],
        out_specs=pl.BlockSpec((T, D), lambda ei, ff: (0, 0)),
        out_shape=jax.ShapeDtypeStruct((T, D), jnp.float32),
        compiler_params=pltpu.CompilerParams(
            dimension_semantics=("arbitrary", "arbitrary")),
    )(gate, out0, hidden_states, w13, w13, w2)

# --- scband reference (transcript-rebuilt; emitter-appended) ---
"""Pipeline reference for scband-fused-mo-e-71399536328817 (READ-ONLY COPY).

The authoritative reference and input builder live on the scoring server;
editing this copy changes nothing except your own understanding.
"""

import jax, jax.numpy as jnp
import numpy as np

E = 16       # num_experts
TOPK = 2     # top_k
D = 1024     # hidden_size
FF = 2048    # intermediate_size
T = 128      # tokens = batch 32 * q_len 4 (decode-style)


def setup_inputs(seed: int = 0) -> dict:
    key = jax.random.key(seed)
    k1, k2, k3, k4 = jax.random.split(key, 4)
    hidden_states = jax.random.normal(k1, (T, D), dtype=jnp.float32)
    router_logits = jax.random.normal(k2, (T, E), dtype=jnp.float32)
    # w13 stacks gate (w1) then up (w3) along the output dim, torch [out, in] layout
    w13 = jax.random.normal(k3, (E, 2 * FF, D), dtype=jnp.float32) * 0.02
    # w2 (down_proj), torch [out, in] layout: [E, D, FF]
    w2 = jax.random.normal(k4, (E, D, FF), dtype=jnp.float32) * 0.02
    return {"hidden_states": hidden_states, "router_logits": router_logits, "w13": w13, "w2": w2}


def reference(hidden_states, router_logits, w13, w2):
    x = hidden_states
    # top-k softmax routing with renormalization (standard FusedMoE topk)
    probs = jax.nn.softmax(router_logits.astype(jnp.float32), axis=-1)
    topk_vals, topk_ids = jax.lax.top_k(probs, TOPK)
    topk_weights = topk_vals / jnp.sum(topk_vals, axis=-1, keepdims=True)
    # scatter routing weights into a dense [T, E] combine matrix
    tok = jnp.arange(x.shape[0])
    gate_mat = jnp.zeros((x.shape[0], E), dtype=x.dtype).at[tok[:, None], topk_ids].add(topk_weights.astype(x.dtype))
    # expert MLPs: gate_up = x @ w13^T per expert
    gu = jnp.einsum('td,eod->eto', x, w13)            # [E, T, 2FF]
    g = gu[..., :FF]
    u = gu[..., FF:]
    act = jax.nn.silu(g) * u                           # SwiGLU
    down = jnp.einsum('etf,edf->etd', act, w2)         # [E, T, D]
    # weighted combine over selected experts
    out = jnp.einsum('te,etd->td', gate_mat, down)     # [T, D]
    return out

if __name__ == "__main__":
    import jax
    _d = setup_inputs()
    print(jax.jit(kernel)(*tuple(_d.values())))

</pallas_src>

<mosaic_0001>
#map = affine_map<(d0, d1) -> (0, 0)>
#map1 = affine_map<(d0, d1) -> (0, 0, 0)>
module attributes {stable_mosaic.version = 14 : i64} {
  func.func @_route_sc_body(%arg0: i32, %arg1: i32, %arg2: memref<16x128xf32, #tpu.memory_space<hbm>>, %arg3: memref<8x16x16xf32, #tpu.memory_space<hbm>>, %arg4: memref<16x128xf32, #tpu.memory_space<vmem>>, %arg5: memref<16x16xf32, #tpu.memory_space<vmem>>, %arg6: memref<!tpu.dma_semaphore, #tpu.memory_space<semaphore_mem>>) attributes {dimension_semantics = [#tpu.dimension_semantics<core_parallel>, #tpu.dimension_semantics<subcore_parallel>], iteration_bounds = array<i64: 2, 16>, scalar_prefetch = 0 : i64, scratch_operands = 3 : i64, tpu.core_type = #tpu.core_type<sc_vector_subcore>, window_params = [{transform_indices = #map}, {transform_indices = #map1}]} {
    %mul3A = arith.constant 2 : i32
    %mul3A_0 = arith.muli %arg1, %mul3A : i32
    %add3A = arith.addi %mul3A_0, %arg0 : i32
    %lt3A = arith.constant 8 : i32
    %lt3A_1 = arith.cmpi slt, %add3A, %lt3A : i32
    %convert_element_type3A = arith.extui %lt3A_1 : i1 to i32
    %cond3A = arith.constant 0 : i32
    %cond3A_2 = arith.cmpi ne, %convert_element_type3A, %cond3A : i32
    scf.if %cond3A_2 {
      %mul3A_3 = arith.constant 16 : i32
      %mul3A_4 = arith.muli %add3A, %mul3A_3 : i32
      "tpu.region"() ({
        %run_scoped3A = tpu.sem_alloc : memref<!tpu.dma_semaphore, #tpu.memory_space<semaphore_mem>>
        tpu.enqueue_dma source(%arg2 : memref<16x128xf32, #tpu.memory_space<hbm>>) target(%arg4 : memref<16x128xf32, #tpu.memory_space<vmem>>) target_semaphore(%run_scoped3A : memref<!tpu.dma_semaphore, #tpu.memory_space<semaphore_mem>>)
        tpu.wait_dma2 semaphore(%run_scoped3A : memref<!tpu.dma_semaphore, #tpu.memory_space<semaphore_mem>>) src(%arg2 : memref<16x128xf32, #tpu.memory_space<hbm>>) dst(%arg4 : memref<16x128xf32, #tpu.memory_space<vmem>>)
        tpu.yield
      }) : () -> ()
      %get3A = arith.constant 0 : i32
      %get3A_5 = arith.index_cast %get3A : i32 to index
      %get3A_6 = arith.index_cast %mul3A_4 : i32 to index
      %get3A_7 = tpu.vector_load %arg4[%get3A_5, %get3A_6] {strides = array<i32>} : memref<16x128xf32, #tpu.memory_space<vmem>>, vector<1x16xf32>,
      %get3A_8 = vector.shape_cast %get3A_7 : vector<1x16xf32> to vector<16xf32>
      %get3A_9 = arith.constant 1 : i32
      %get3A_10 = arith.index_cast %get3A_9 : i32 to index
      %get3A_11 = arith.index_cast %mul3A_4 : i32 to index
      %get3A_12 = tpu.vector_load %arg4[%get3A_10, %get3A_11] {strides = array<i32>} : memref<16x128xf32, #tpu.memory_space<vmem>>, vector<1x16xf32>,
      %get3A_13 = vector.shape_cast %get3A_12 : vector<1x16xf32> to vector<16xf32>
      %get3A_14 = arith.constant 2 : i32
      %get3A_15 = arith.index_cast %get3A_14 : i32 to index
      %get3A_16 = arith.index_cast %mul3A_4 : i32 to index
      %get3A_17 = tpu.vector_load %arg4[%get3A_15, %get3A_16] {strides = array<i32>} : memref<16x128xf32, #tpu.memory_space<vmem>>, vector<1x16xf32>,
      %get3A_18 = vector.shape_cast %get3A_17 : vector<1x16xf32> to vector<16xf32>
      %get3A_19 = arith.constant 3 : i32
      %get3A_20 = arith.index_cast %get3A_19 : i32 to index
      %get3A_21 = arith.index_cast %mul3A_4 : i32 to index
      %get3A_22 = tpu.vector_load %arg4[%get3A_20, %get3A_21] {strides = array<i32>} : memref<16x128xf32, #tpu.memory_space<vmem>>, vector<1x16xf32>,
      %get3A_23 = vector.shape_cast %get3A_22 : vector<1x16xf32> to vector<16xf32>
      %get3A_24 = arith.constant 4 : i32
      %get3A_25 = arith.index_cast %get3A_24 : i32 to index
      %get3A_26 = arith.index_cast %mul3A_4 : i32 to index
      %get3A_27 = tpu.vector_load %arg4[%get3A_25, %get3A_26] {strides = array<i32>} : memref<16x128xf32, #tpu.memory_space<vmem>>, vector<1x16xf32>,
      %get3A_28 = vector.shape_cast %get3A_27 : vector<1x16xf32> to vector<16xf32>
      %get3A_29 = arith.constant 5 : i32
      %get3A_30 = arith.index_cast %get3A_29 : i32 to index
      %get3A_31 = arith.index_cast %mul3A_4 : i32 to index
      %get3A_32 = tpu.vector_load %arg4[%get3A_30, %get3A_31] {strides = array<i32>} : memref<16x128xf32, #tpu.memory_space<vmem>>, vector<1x16xf32>,
      %get3A_33 = vector.shape_cast %get3A_32 : vector<1x16xf32> to vector<16xf32>
      %get3A_34 = arith.constant 6 : i32
      %get3A_35 = arith.index_cast %get3A_34 : i32 to index
      %get3A_36 = arith.index_cast %mul3A_4 : i32 to index
      %get3A_37 = tpu.vector_load %arg4[%get3A_35, %get3A_36] {strides = array<i32>} : memref<16x128xf32, #tpu.memory_space<vmem>>, vector<1x16xf32>,
      %get3A_38 = vector.shape_cast %get3A_37 : vector<1x16xf32> to vector<16xf32>
      %get3A_39 = arith.constant 7 : i32
      %get3A_40 = arith.index_cast %get3A_39 : i32 to index
      %get3A_41 = arith.index_cast %mul3A_4 : i32 to index
      %get3A_42 = tpu.vector_load %arg4[%get3A_40, %get3A_41] {strides = array<i32>} : memref<16x128xf32, #tpu.memory_space<vmem>>, vector<1x16xf32>,
      %get3A_43 = vector.shape_cast %get3A_42 : vector<1x16xf32> to vector<16xf32>
      %get3A_44 = arith.constant 8 : i32
      %get3A_45 = arith.index_cast %get3A_44 : i32 to index
      %get3A_46 = arith.index_cast %mul3A_4 : i32 to index
      %get3A_47 = tpu.vector_load %arg4[%get3A_45, %get3A_46] {strides = array<i32>} : memref<16x128xf32, #tpu.memory_space<vmem>>, vector<1x16xf32>,
      %get3A_48 = vector.shape_cast %get3A_47 : vector<1x16xf32> to vector<16xf32>
      %get3A_49 = arith.constant 9 : i32
      %get3A_50 = arith.index_cast %get3A_49 : i32 to index
      %get3A_51 = arith.index_cast %mul3A_4 : i32 to index
      %get3A_52 = tpu.vector_load %arg4[%get3A_50, %get3A_51] {strides = array<i32>} : memref<16x128xf32, #tpu.memory_space<vmem>>, vector<1x16xf32>,
      %get3A_53 = vector.shape_cast %get3A_52 : vector<1x16xf32> to vector<16xf32>
      %get3A_54 = arith.constant 10 : i32
      %get3A_55 = arith.index_cast %get3A_54 : i32 to index
      %get3A_56 = arith.index_cast %mul3A_4 : i32 to index
      %get3A_57 = tpu.vector_load %arg4[%get3A_55, %get3A_56] {strides = array<i32>} : memref<16x128xf32, #tpu.memory_space<vmem>>, vector<1x16xf32>,
      %get3A_58 = vector.shape_cast %get3A_57 : vector<1x16xf32> to vector<16xf32>
      %get3A_59 = arith.constant 11 : i32
      %get3A_60 = arith.index_cast %get3A_59 : i32 to index
      %get3A_61 = arith.index_cast %mul3A_4 : i32 to index
      %get3A_62 = tpu.vector_load %arg4[%get3A_60, %get3A_61] {strides = array<i32>} : memref<16x128xf32, #tpu.memory_space<vmem>>, vector<1x16xf32>,
      %get3A_63 = vector.shape_cast %get3A_62 : vector<1x16xf32> to vector<16xf32>
      %get3A_64 = arith.constant 12 : i32
      %get3A_65 = arith.index_cast %get3A_64 : i32 to index
      %get3A_66 = arith.index_cast %mul3A_4 : i32 to index
      %get3A_67 = tpu.vector_load %arg4[%get3A_65, %get3A_66] {strides = array<i32>} : memref<16x128xf32, #tpu.memory_space<vmem>>, vector<1x16xf32>,
      %get3A_68 = vector.shape_cast %get3A_67 : vector<1x16xf32> to vector<16xf32>
      %get3A_69 = arith.constant 13 : i32
      %get3A_70 = arith.index_cast %get3A_69 : i32 to index
      %get3A_71 = arith.index_cast %mul3A_4 : i32 to index
      %get3A_72 = tpu.vector_load %arg4[%get3A_70, %get3A_71] {strides = array<i32>} : memref<16x128xf32, #tpu.memory_space<vmem>>, vector<1x16xf32>,
      %get3A_73 = vector.shape_cast %get3A_72 : vector<1x16xf32> to vector<16xf32>
      %get3A_74 = arith.constant 14 : i32
      %get3A_75 = arith.index_cast %get3A_74 : i32 to index
      %get3A_76 = arith.index_cast %mul3A_4 : i32 to index
      %get3A_77 = tpu.vector_load %arg4[%get3A_75, %get3A_76] {strides = array<i32>} : memref<16x128xf32, #tpu.memory_space<vmem>>, vector<1x16xf32>,
      %get3A_78 = vector.shape_cast %get3A_77 : vector<1x16xf32> to vector<16xf32>
      %get3A_79 = arith.constant 15 : i32
      %get3A_80 = arith.index_cast %get3A_79 : i32 to index
      %get3A_81 = arith.index_cast %mul3A_4 : i32 to index
      %get3A_82 = tpu.vector_load %arg4[%get3A_80, %get3A_81] {strides = array<i32>} : memref<16x128xf32, #tpu.memory_space<vmem>>, vector<1x16xf32>,
      %get3A_83 = vector.shape_cast %get3A_82 : vector<1x16xf32> to vector<16xf32>
      %broadcast_in_dim3A = arith.constant 0 : i32
      %broadcast_in_dim3A_84 = vector.broadcast %broadcast_in_dim3A : i32 to vector<16xi32>
      %gt3A = arith.cmpf ogt, %get3A_13, %get3A_8 : vector<16xf32>
      %select_n3A = arith.select %gt3A, %get3A_13, %get3A_8 : vector<16xi1>, vector<16xf32>
      %jit3A = arith.constant 1 : i32
      %broadcast_in_dim3A_85 = vector.broadcast %jit3A : i32 to vector<16xi32>
      %select_n3A_86 = arith.select %gt3A, %broadcast_in_dim3A_85, %broadcast_in_dim3A_84 : vector<16xi1>, vector<16xi32>
      %gt3A_87 = arith.cmpf ogt, %get3A_18, %select_n3A : vector<16xf32>
      %select_n3A_88 = arith.select %gt3A_87, %get3A_18, %select_n3A : vector<16xi1>, vector<16xf32>
      %jit3A_89 = arith.constant 2 : i32
      %broadcast_in_dim3A_90 = vector.broadcast %jit3A_89 : i32 to vector<16xi32>
      %select_n3A_91 = arith.select %gt3A_87, %broadcast_in_dim3A_90, %select_n3A_86 : vector<16xi1>, vector<16xi32>
      %gt3A_92 = arith.cmpf ogt, %get3A_23, %select_n3A_88 : vector<16xf32>
      %select_n3A_93 = arith.select %gt3A_92, %get3A_23, %select_n3A_88 : vector<16xi1>, vector<16xf32>
      %jit3A_94 = arith.constant 3 : i32
      %broadcast_in_dim3A_95 = vector.broadcast %jit3A_94 : i32 to vector<16xi32>
      %select_n3A_96 = arith.select %gt3A_92, %broadcast_in_dim3A_95, %select_n3A_91 : vector<16xi1>, vector<16xi32>
      %gt3A_97 = arith.cmpf ogt, %get3A_28, %select_n3A_93 : vector<16xf32>
      %select_n3A_98 = arith.select %gt3A_97, %get3A_28, %select_n3A_93 : vector<16xi1>, vector<16xf32>
      %jit3A_99 = arith.constant 4 : i32
      %broadcast_in_dim3A_100 = vector.broadcast %jit3A_99 : i32 to vector<16xi32>
      %select_n3A_101 = arith.select %gt3A_97, %broadcast_in_dim3A_100, %select_n3A_96 : vector<16xi1>, vector<16xi32>
      %gt3A_102 = arith.cmpf ogt, %get3A_33, %select_n3A_98 : vector<16xf32>
      %select_n3A_103 = arith.select %gt3A_102, %get3A_33, %select_n3A_98 : vector<16xi1>, vector<16xf32>
      %jit3A_104 = arith.constant 5 : i32
      %broadcast_in_dim3A_105 = vector.broadcast %jit3A_104 : i32 to vector<16xi32>
      %select_n3A_106 = arith.select %gt3A_102, %broadcast_in_dim3A_105, %select_n3A_101 : vector<16xi1>, vector<16xi32>
      %gt3A_107 = arith.cmpf ogt, %get3A_38, %select_n3A_103 : vector<16xf32>
      %select_n3A_108 = arith.select %gt3A_107, %get3A_38, %select_n3A_103 : vector<16xi1>, vector<16xf32>
      %jit3A_109 = arith.constant 6 : i32
      %broadcast_in_dim3A_110 = vector.broadcast %jit3A_109 : i32 to vector<16xi32>
      %select_n3A_111 = arith.select %gt3A_107, %broadcast_in_dim3A_110, %select_n3A_106 : vector<16xi1>, vector<16xi32>
      %gt3A_112 = arith.cmpf ogt, %get3A_43, %select_n3A_108 : vector<16xf32>
      %select_n3A_113 = arith.select %gt3A_112, %get3A_43, %select_n3A_108 : vector<16xi1>, vector<16xf32>
      %jit3A_114 = arith.constant 7 : i32
      %broadcast_in_dim3A_115 = vector.broadcast %jit3A_114 : i32 to vector<16xi32>
      %select_n3A_116 = arith.select %gt3A_112, %broadcast_in_dim3A_115, %select_n3A_111 : vector<16xi1>, vector<16xi32>
      %gt3A_117 = arith.cmpf ogt, %get3A_48, %select_n3A_113 : vector<16xf32>
      %select_n3A_118 = arith.select %gt3A_117, %get3A_48, %select_n3A_113 : vector<16xi1>, vector<16xf32>
      %jit3A_119 = arith.constant 8 : i32
      %broadcast_in_dim3A_120 = vector.broadcast %jit3A_119 : i32 to vector<16xi32>
      %select_n3A_121 = arith.select %gt3A_117, %broadcast_in_dim3A_120, %select_n3A_116 : vector<16xi1>, vector<16xi32>
      %gt3A_122 = arith.cmpf ogt, %get3A_53, %select_n3A_118 : vector<16xf32>
      %select_n3A_123 = arith.select %gt3A_122, %get3A_53, %select_n3A_118 : vector<16xi1>, vector<16xf32>
      %jit3A_124 = arith.constant 9 : i32
      %broadcast_in_dim3A_125 = vector.broadcast %jit3A_124 : i32 to vector<16xi32>
      %select_n3A_126 = arith.select %gt3A_122, %broadcast_in_dim3A_125, %select_n3A_121 : vector<16xi1>, vector<16xi32>
      %gt3A_127 = arith.cmpf ogt, %get3A_58, %select_n3A_123 : vector<16xf32>
      %select_n3A_128 = arith.select %gt3A_127, %get3A_58, %select_n3A_123 : vector<16xi1>, vector<16xf32>
      %jit3A_129 = arith.constant 10 : i32
      %broadcast_in_dim3A_130 = vector.broadcast %jit3A_129 : i32 to vector<16xi32>
      %select_n3A_131 = arith.select %gt3A_127, %broadcast_in_dim3A_130, %select_n3A_126 : vector<16xi1>, vector<16xi32>
      %gt3A_132 = arith.cmpf ogt, %get3A_63, %select_n3A_128 : vector<16xf32>
      %select_n3A_133 = arith.select %gt3A_132, %get3A_63, %select_n3A_128 : vector<16xi1>, vector<16xf32>
      %jit3A_134 = arith.constant 11 : i32
      %broadcast_in_dim3A_135 = vector.broadcast %jit3A_134 : i32 to vector<16xi32>
      %select_n3A_136 = arith.select %gt3A_132, %broadcast_in_dim3A_135, %select_n3A_131 : vector<16xi1>, vector<16xi32>
      %gt3A_137 = arith.cmpf ogt, %get3A_68, %select_n3A_133 : vector<16xf32>
      %select_n3A_138 = arith.select %gt3A_137, %get3A_68, %select_n3A_133 : vector<16xi1>, vector<16xf32>
      %jit3A_139 = arith.constant 12 : i32
      %broadcast_in_dim3A_140 = vector.broadcast %jit3A_139 : i32 to vector<16xi32>
      %select_n3A_141 = arith.select %gt3A_137, %broadcast_in_dim3A_140, %select_n3A_136 : vector<16xi1>, vector<16xi32>
      %gt3A_142 = arith.cmpf ogt, %get3A_73, %select_n3A_138 : vector<16xf32>
      %select_n3A_143 = arith.select %gt3A_142, %get3A_73, %select_n3A_138 : vector<16xi1>, vector<16xf32>
      %jit3A_144 = arith.constant 13 : i32
      %broadcast_in_dim3A_145 = vector.broadcast %jit3A_144 : i32 to vector<16xi32>
      %select_n3A_146 = arith.select %gt3A_142, %broadcast_in_dim3A_145, %select_n3A_141 : vector<16xi1>, vector<16xi32>
      %gt3A_147 = arith.cmpf ogt, %get3A_78, %select_n3A_143 : vector<16xf32>
      %select_n3A_148 = arith.select %gt3A_147, %get3A_78, %select_n3A_143 : vector<16xi1>, vector<16xf32>
      %jit3A_149 = arith.constant 14 : i32
      %broadcast_in_dim3A_150 = vector.broadcast %jit3A_149 : i32 to vector<16xi32>
      %select_n3A_151 = arith.select %gt3A_147, %broadcast_in_dim3A_150, %select_n3A_146 : vector<16xi1>, vector<16xi32>
      %gt3A_152 = arith.cmpf ogt, %get3A_83, %select_n3A_148 : vector<16xf32>
      %select_n3A_153 = arith.select %gt3A_152, %get3A_83, %select_n3A_148 : vector<16xi1>, vector<16xf32>
      %jit3A_154 = arith.constant 15 : i32
      %broadcast_in_dim3A_155 = vector.broadcast %jit3A_154 : i32 to vector<16xi32>
      %select_n3A_156 = arith.select %gt3A_152, %broadcast_in_dim3A_155, %select_n3A_151 : vector<16xi1>, vector<16xi32>
      %broadcast_in_dim3A_157 = arith.constant 0xFF800000 : f32
      %broadcast_in_dim3A_158 = vector.broadcast %broadcast_in_dim3A_157 : f32 to vector<16xf32>
      %eq3A = arith.constant 0 : i32
      %eq3A_159 = vector.broadcast %eq3A : i32 to vector<16xi32>
      %eq3A_160 = arith.cmpi eq, %select_n3A_156, %eq3A_159 : vector<16xi32>
      %select_n3A_161 = arith.select %eq3A_160, %broadcast_in_dim3A_158, %get3A_8 : vector<16xi1>, vector<16xf32>
      %broadcast_in_dim3A_162 = arith.constant 0 : i32
      %broadcast_in_dim3A_163 = vector.broadcast %broadcast_in_dim3A_162 : i32 to vector<16xi32>
      %eq3A_164 = arith.constant 1 : i32
      %eq3A_165 = vector.broadcast %eq3A_164 : i32 to vector<16xi32>
      %eq3A_166 = arith.cmpi eq, %select_n3A_156, %eq3A_165 : vector<16xi32>
      %select_n3A_167 = arith.select %eq3A_166, %broadcast_in_dim3A_158, %get3A_13 : vector<16xi1>, vector<16xf32>
      %gt3A_168 = arith.cmpf ogt, %select_n3A_167, %select_n3A_161 : vector<16xf32>
      %select_n3A_169 = arith.select %gt3A_168, %select_n3A_167, %select_n3A_161 : vector<16xi1>, vector<16xf32>
      %jit3A_170 = arith.constant 1 : i32
      %broadcast_in_dim3A_171 = vector.broadcast %jit3A_170 : i32 to vector<16xi32>
      %select_n3A_172 = arith.select %gt3A_168, %broadcast_in_dim3A_171, %broadcast_in_dim3A_163 : vector<16xi1>, vector<16xi32>
      %eq3A_173 = arith.constant 2 : i32
      %eq3A_174 = vector.broadcast %eq3A_173 : i32 to vector<16xi32>
      %eq3A_175 = arith.cmpi eq, %select_n3A_156, %eq3A_174 : vector<16xi32>
      %select_n3A_176 = arith.select %eq3A_175, %broadcast_in_dim3A_158, %get3A_18 : vector<16xi1>, vector<16xf32>
      %gt3A_177 = arith.cmpf ogt, %select_n3A_176, %select_n3A_169 : vector<16xf32>
      %select_n3A_178 = arith.select %gt3A_177, %select_n3A_176, %select_n3A_169 : vector<16xi1>, vector<16xf32>
      %jit3A_179 = arith.constant 2 : i32
      %broadcast_in_dim3A_180 = vector.broadcast %jit3A_179 : i32 to vector<16xi32>
      %select_n3A_181 = arith.select %gt3A_177, %broadcast_in_dim3A_180, %select_n3A_172 : vector<16xi1>, vector<16xi32>
      %eq3A_182 = arith.constant 3 : i32
      %eq3A_183 = vector.broadcast %eq3A_182 : i32 to vector<16xi32>
      %eq3A_184 = arith.cmpi eq, %select_n3A_156, %eq3A_183 : vector<16xi32>
      %select_n3A_185 = arith.select %eq3A_184, %broadcast_in_dim3A_158, %get3A_23 : vector<16xi1>, vector<16xf32>
      %gt3A_186 = arith.cmpf ogt, %select_n3A_185, %select_n3A_178 : vector<16xf32>
      %select_n3A_187 = arith.select %gt3A_186, %select_n3A_185, %select_n3A_178 : vector<16xi1>, vector<16xf32>
      %jit3A_188 = arith.constant 3 : i32
      %broadcast_in_dim3A_189 = vector.broadcast %jit3A_188 : i32 to vector<16xi32>
      %select_n3A_190 = arith.select %gt3A_186, %broadcast_in_dim3A_189, %select_n3A_181 : vector<16xi1>, vector<16xi32>
      %eq3A_191 = arith.constant 4 : i32
      %eq3A_192 = vector.broadcast %eq3A_191 : i32 to vector<16xi32>
      %eq3A_193 = arith.cmpi eq, %select_n3A_156, %eq3A_192 : vector<16xi32>
      %select_n3A_194 = arith.select %eq3A_193, %broadcast_in_dim3A_158, %get3A_28 : vector<16xi1>, vector<16xf32>
      %gt3A_195 = arith.cmpf ogt, %select_n3A_194, %select_n3A_187 : vector<16xf32>
      %select_n3A_196 = arith.select %gt3A_195, %select_n3A_194, %select_n3A_187 : vector<16xi1>, vector<16xf32>
      %jit3A_197 = arith.constant 4 : i32
      %broadcast_in_dim3A_198 = vector.broadcast %jit3A_197 : i32 to vector<16xi32>
      %select_n3A_199 = arith.select %gt3A_195, %broadcast_in_dim3A_198, %select_n3A_190 : vector<16xi1>, vector<16xi32>
      %eq3A_200 = arith.constant 5 : i32
      %eq3A_201 = vector.broadcast %eq3A_200 : i32 to vector<16xi32>
      %eq3A_202 = arith.cmpi eq, %select_n3A_156, %eq3A_201 : vector<16xi32>
      %select_n3A_203 = arith.select %eq3A_202, %broadcast_in_dim3A_158, %get3A_33 : vector<16xi1>, vector<16xf32>
      %gt3A_204 = arith.cmpf ogt, %select_n3A_203, %select_n3A_196 : vector<16xf32>
      %select_n3A_205 = arith.select %gt3A_204, %select_n3A_203, %select_n3A_196 : vector<16xi1>, vector<16xf32>
      %jit3A_206 = arith.constant 5 : i32
      %broadcast_in_dim3A_207 = vector.broadcast %jit3A_206 : i32 to vector<16xi32>
      %select_n3A_208 = arith.select %gt3A_204, %broadcast_in_dim3A_207, %select_n3A_199 : vector<16xi1>, vector<16xi32>
      %eq3A_209 = arith.constant 6 : i32
      %eq3A_210 = vector.broadcast %eq3A_209 : i32 to vector<16xi32>
      %eq3A_211 = arith.cmpi eq, %select_n3A_156, %eq3A_210 : vector<16xi32>
      %select_n3A_212 = arith.select %eq3A_211, %broadcast_in_dim3A_158, %get3A_38 : vector<16xi1>, vector<16xf32>
      %gt3A_213 = arith.cmpf ogt, %select_n3A_212, %select_n3A_205 : vector<16xf32>
      %select_n3A_214 = arith.select %gt3A_213, %select_n3A_212, %select_n3A_205 : vector<16xi1>, vector<16xf32>
      %jit3A_215 = arith.constant 6 : i32
      %broadcast_in_dim3A_216 = vector.broadcast %jit3A_215 : i32 to vector<16xi32>
      %select_n3A_217 = arith.select %gt3A_213, %broadcast_in_dim3A_216, %select_n3A_208 : vector<16xi1>, vector<16xi32>
      %eq3A_218 = arith.constant 7 : i32
      %eq3A_219 = vector.broadcast %eq3A_218 : i32 to vector<16xi32>
      %eq3A_220 = arith.cmpi eq, %select_n3A_156, %eq3A_219 : vector<16xi32>
      %select_n3A_221 = arith.select %eq3A_220, %broadcast_in_dim3A_158, %get3A_43 : vector<16xi1>, vector<16xf32>
      %gt3A_222 = arith.cmpf ogt, %select_n3A_221, %select_n3A_214 : vector<16xf32>
      %select_n3A_223 = arith.select %gt3A_222, %select_n3A_221, %select_n3A_214 : vector<16xi1>, vector<16xf32>
      %jit3A_224 = arith.constant 7 : i32
      %broadcast_in_dim3A_225 = vector.broadcast %jit3A_224 : i32 to vector<16xi32>
      %select_n3A_226 = arith.select %gt3A_222, %broadcast_in_dim3A_225, %select_n3A_217 : vector<16xi1>, vector<16xi32>
      %eq3A_227 = arith.constant 8 : i32
      %eq3A_228 = vector.broadcast %eq3A_227 : i32 to vector<16xi32>
      %eq3A_229 = arith.cmpi eq, %select_n3A_156, %eq3A_228 : vector<16xi32>
      %select_n3A_230 = arith.select %eq3A_229, %broadcast_in_dim3A_158, %get3A_48 : vector<16xi1>, vector<16xf32>
      %gt3A_231 = arith.cmpf ogt, %select_n3A_230, %select_n3A_223 : vector<16xf32>
      %select_n3A_232 = arith.select %gt3A_231, %select_n3A_230, %select_n3A_223 : vector<16xi1>, vector<16xf32>
      %jit3A_233 = arith.constant 8 : i32
      %broadcast_in_dim3A_234 = vector.broadcast %jit3A_233 : i32 to vector<16xi32>
      %select_n3A_235 = arith.select %gt3A_231, %broadcast_in_dim3A_234, %select_n3A_226 : vector<16xi1>, vector<16xi32>
      %eq3A_236 = arith.constant 9 : i32
      %eq3A_237 = vector.broadcast %eq3A_236 : i32 to vector<16xi32>
      %eq3A_238 = arith.cmpi eq, %select_n3A_156, %eq3A_237 : vector<16xi32>
      %select_n3A_239 = arith.select %eq3A_238, %broadcast_in_dim3A_158, %get3A_53 : vector<16xi1>, vector<16xf32>
      %gt3A_240 = arith.cmpf ogt, %select_n3A_239, %select_n3A_232 : vector<16xf32>
      %select_n3A_241 = arith.select %gt3A_240, %select_n3A_239, %select_n3A_232 : vector<16xi1>, vector<16xf32>
      %jit3A_242 = arith.constant 9 : i32
      %broadcast_in_dim3A_243 = vector.broadcast %jit3A_242 : i32 to vector<16xi32>
      %select_n3A_244 = arith.select %gt3A_240, %broadcast_in_dim3A_243, %select_n3A_235 : vector<16xi1>, vector<16xi32>
      %eq3A_245 = arith.constant 10 : i32
      %eq3A_246 = vector.broadcast %eq3A_245 : i32 to vector<16xi32>
      %eq3A_247 = arith.cmpi eq, %select_n3A_156, %eq3A_246 : vector<16xi32>
      %select_n3A_248 = arith.select %eq3A_247, %broadcast_in_dim3A_158, %get3A_58 : vector<16xi1>, vector<16xf32>
      %gt3A_249 = arith.cmpf ogt, %select_n3A_248, %select_n3A_241 : vector<16xf32>
      %select_n3A_250 = arith.select %gt3A_249, %select_n3A_248, %select_n3A_241 : vector<16xi1>, vector<16xf32>
      %jit3A_251 = arith.constant 10 : i32
      %broadcast_in_dim3A_252 = vector.broadcast %jit3A_251 : i32 to vector<16xi32>
      %select_n3A_253 = arith.select %gt3A_249, %broadcast_in_dim3A_252, %select_n3A_244 : vector<16xi1>, vector<16xi32>
      %eq3A_254 = arith.constant 11 : i32
      %eq3A_255 = vector.broadcast %eq3A_254 : i32 to vector<16xi32>
      %eq3A_256 = arith.cmpi eq, %select_n3A_156, %eq3A_255 : vector<16xi32>
      %select_n3A_257 = arith.select %eq3A_256, %broadcast_in_dim3A_158, %get3A_63 : vector<16xi1>, vector<16xf32>
      %gt3A_258 = arith.cmpf ogt, %select_n3A_257, %select_n3A_250 : vector<16xf32>
      %select_n3A_259 = arith.select %gt3A_258, %select_n3A_257, %select_n3A_250 : vector<16xi1>, vector<16xf32>
      %jit3A_260 = arith.constant 11 : i32
      %broadcast_in_dim3A_261 = vector.broadcast %jit3A_260 : i32 to vector<16xi32>
      %select_n3A_262 = arith.select %gt3A_258, %broadcast_in_dim3A_261, %select_n3A_253 : vector<16xi1>, vector<16xi32>
      %eq3A_263 = arith.constant 12 : i32
      %eq3A_264 = vector.broadcast %eq3A_263 : i32 to vector<16xi32>
      %eq3A_265 = arith.cmpi eq, %select_n3A_156, %eq3A_264 : vector<16xi32>
      %select_n3A_266 = arith.select %eq3A_265, %broadcast_in_dim3A_158, %get3A_68 : vector<16xi1>, vector<16xf32>
      %gt3A_267 = arith.cmpf ogt, %select_n3A_266, %select_n3A_259 : vector<16xf32>
      %select_n3A_268 = arith.select %gt3A_267, %select_n3A_266, %select_n3A_259 : vector<16xi1>, vector<16xf32>
      %jit3A_269 = arith.constant 12 : i32
      %broadcast_in_dim3A_270 = vector.broadcast %jit3A_269 : i32 to vector<16xi32>
      %select_n3A_271 = arith.select %gt3A_267, %broadcast_in_dim3A_270, %select_n3A_262 : vector<16xi1>, vector<16xi32>
      %eq3A_272 = arith.constant 13 : i32
      %eq3A_273 = vector.broadcast %eq3A_272 : i32 to vector<16xi32>
      %eq3A_274 = arith.cmpi eq, %select_n3A_156, %eq3A_273 : vector<16xi32>
      %select_n3A_275 = arith.select %eq3A_274, %broadcast_in_dim3A_158, %get3A_73 : vector<16xi1>, vector<16xf32>
      %gt3A_276 = arith.cmpf ogt, %select_n3A_275, %select_n3A_268 : vector<16xf32>
      %select_n3A_277 = arith.select %gt3A_276, %select_n3A_275, %select_n3A_268 : vector<16xi1>, vector<16xf32>
      %jit3A_278 = arith.constant 13 : i32
      %broadcast_in_dim3A_279 = vector.broadcast %jit3A_278 : i32 to vector<16xi32>
      %select_n3A_280 = arith.select %gt3A_276, %broadcast_in_dim3A_279, %select_n3A_271 : vector<16xi1>, vector<16xi32>
      %eq3A_281 = arith.constant 14 : i32
      %eq3A_282 = vector.broadcast %eq3A_281 : i32 to vector<16xi32>
      %eq3A_283 = arith.cmpi eq, %select_n3A_156, %eq3A_282 : vector<16xi32>
      %select_n3A_284 = arith.select %eq3A_283, %broadcast_in_dim3A_158, %get3A_78 : vector<16xi1>, vector<16xf32>
      %gt3A_285 = arith.cmpf ogt, %select_n3A_284, %select_n3A_277 : vector<16xf32>
      %select_n3A_286 = arith.select %gt3A_285, %select_n3A_284, %select_n3A_277 : vector<16xi1>, vector<16xf32>
      %jit3A_287 = arith.constant 14 : i32
      %broadcast_in_dim3A_288 = vector.broadcast %jit3A_287 : i32 to vector<16xi32>
      %select_n3A_289 = arith.select %gt3A_285, %broadcast_in_dim3A_288, %select_n3A_280 : vector<16xi1>, vector<16xi32>
      %eq3A_290 = arith.constant 15 : i32
      %eq3A_291 = vector.broadcast %eq3A_290 : i32 to vector<16xi32>
      %eq3A_292 = arith.cmpi eq, %select_n3A_156, %eq3A_291 : vector<16xi32>
      %select_n3A_293 = arith.select %eq3A_292, %broadcast_in_dim3A_158, %get3A_83 : vector<16xi1>, vector<16xf32>
      %gt3A_294 = arith.cmpf ogt, %select_n3A_293, %select_n3A_286 : vector<16xf32>
      %select_n3A_295 = arith.select %gt3A_294, %select_n3A_293, %select_n3A_286 : vector<16xi1>, vector<16xf32>
      %jit3A_296 = arith.constant 15 : i32
      %broadcast_in_dim3A_297 = vector.broadcast %jit3A_296 : i32 to vector<16xi32>
      %select_n3A_298 = arith.select %gt3A_294, %broadcast_in_dim3A_297, %select_n3A_289 : vector<16xi1>, vector<16xi32>
      %sub3A = arith.subf %select_n3A_295, %select_n3A_153 : vector<16xf32>
      %exp3A = math.exp %sub3A : vector<16xf32>
      %add3A_299 = arith.constant 1.000000e+00 : f32
      %add3A_300 = vector.broadcast %add3A_299 : f32 to vector<16xf32>
      %add3A_301 = arith.addf %add3A_300, %exp3A : vector<16xf32>
      %div3A = arith.constant 1.000000e+00 : f32
      %div3A_302 = vector.broadcast %div3A : f32 to vector<16xf32>
      %div3A_303 = arith.divf %div3A_302, %add3A_301 : vector<16xf32>
      %broadcast_in_dim3A_304 = arith.constant 0.000000e+00 : f32
      %broadcast_in_dim3A_305 = vector.broadcast %broadcast_in_dim3A_304 : f32 to vector<16xf32>
      %eq3A_306 = arith.constant 0 : i32
      %eq3A_307 = vector.broadcast %eq3A_306 : i32 to vector<16xi32>
      %eq3A_308 = arith.cmpi eq, %select_n3A_156, %eq3A_307 : vector<16xi32>
      %select_n3A_309 = arith.select %eq3A_308, %div3A_303, %broadcast_in_dim3A_305 : vector<16xi1>, vector<16xf32>
      %eq3A_310 = arith.constant 0 : i32
      %eq3A_311 = vector.broadcast %eq3A_310 : i32 to vector<16xi32>
      %eq3A_312 = arith.cmpi eq, %select_n3A_298, %eq3A_311 : vector<16xi32>
      %sub3A_313 = arith.constant 1.000000e+00 : f32
      %sub3A_314 = vector.broadcast %sub3A_313 : f32 to vector<16xf32>
      %sub3A_315 = arith.subf %sub3A_314, %div3A_303 : vector<16xf32>
      %select_n3A_316 = arith.select %eq3A_312, %sub3A_315, %broadcast_in_dim3A_305 : vector<16xi1>, vector<16xf32>
      %add3A_317 = arith.addf %select_n3A_309, %select_n3A_316 : vector<16xf32>
      %swap3A = arith.constant 0 : i32
      %swap3A_318 = arith.index_cast %swap3A : i32 to index
      %swap3A_319 = arith.constant 0 : index
      %swap3A_320 = tpu.vector_load %arg5[%swap3A_318, %swap3A_319] {strides = array<i32>} : memref<16x16xf32, #tpu.memory_space<vmem>>, vector<1x16xf32>,
      %swap3A_321 = vector.shape_cast %swap3A_320 : vector<1x16xf32> to vector<16xf32>
      %swap3A_322 = vector.shape_cast %add3A_317 : vector<16xf32> to vector<1x16xf32>
      tpu.vector_store %arg5[%swap3A_318, %swap3A_319], %swap3A_322 {strides = array<i32>} : memref<16x16xf32, #tpu.memory_space<vmem>>, vector<1x16xf32>,
      %eq3A_323 = arith.constant 1 : i32
      %eq3A_324 = vector.broadcast %eq3A_323 : i32 to vector<16xi32>
      %eq3A_325 = arith.cmpi eq, %select_n3A_156, %eq3A_324 : vector<16xi32>
      %select_n3A_326 = arith.select %eq3A_325, %div3A_303, %broadcast_in_dim3A_305 : vector<16xi1>, vector<16xf32>
      %eq3A_327 = arith.constant 1 : i32
      %eq3A_328 = vector.broadcast %eq3A_327 : i32 to vector<16xi32>
      %eq3A_329 = arith.cmpi eq, %select_n3A_298, %eq3A_328 : vector<16xi32>
      %sub3A_330 = arith.constant 1.000000e+00 : f32
      %sub3A_331 = vector.broadcast %sub3A_330 : f32 to vector<16xf32>
      %sub3A_332 = arith.subf %sub3A_331, %div3A_303 : vector<16xf32>
      %select_n3A_333 = arith.select %eq3A_329, %sub3A_332, %broadcast_in_dim3A_305 : vector<16xi1>, vector<16xf32>
      %add3A_334 = arith.addf %select_n3A_326, %select_n3A_333 : vector<16xf32>
      %swap3A_335 = arith.constant 1 : i32
      %swap3A_336 = arith.index_cast %swap3A_335 : i32 to index
      %swap3A_337 = arith.constant 0 : index
      %swap3A_338 = tpu.vector_load %arg5[%swap3A_336, %swap3A_337] {strides = array<i32>} : memref<16x16xf32, #tpu.memory_space<vmem>>, vector<1x16xf32>,
      %swap3A_339 = vector.shape_cast %swap3A_338 : vector<1x16xf32> to vector<16xf32>
      %swap3A_340 = vector.shape_cast %add3A_334 : vector<16xf32> to vector<1x16xf32>
      tpu.vector_store %arg5[%swap3A_336, %swap3A_337], %swap3A_340 {strides = array<i32>} : memref<16x16xf32, #tpu.memory_space<vmem>>, vector<1x16xf32>,
      %eq3A_341 = arith.constant 2 : i32
      %eq3A_342 = vector.broadcast %eq3A_341 : i32 to vector<16xi32>
      %eq3A_343 = arith.cmpi eq, %select_n3A_156, %eq3A_342 : vector<16xi32>
      %select_n3A_344 = arith.select %eq3A_343, %div3A_303, %broadcast_in_dim3A_305 : vector<16xi1>, vector<16xf32>
      %eq3A_345 = arith.constant 2 : i32
      %eq3A_346 = vector.broadcast %eq3A_345 : i32 to vector<16xi32>
      %eq3A_347 = arith.cmpi eq, %select_n3A_298, %eq3A_346 : vector<16xi32>
      %sub3A_348 = arith.constant 1.000000e+00 : f32
      %sub3A_349 = vector.broadcast %sub3A_348 : f32 to vector<16xf32>
      %sub3A_350 = arith.subf %sub3A_349, %div3A_303 : vector<16xf32>
      %select_n3A_351 = arith.select %eq3A_347, %sub3A_350, %broadcast_in_dim3A_305 : vector<16xi1>, vector<16xf32>
      %add3A_352 = arith.addf %select_n3A_344, %select_n3A_351 : vector<16xf32>
      %swap3A_353 = arith.constant 2 : i32
      %swap3A_354 = arith.index_cast %swap3A_353 : i32 to index
      %swap3A_355 = arith.constant 0 : index
      %swap3A_356 = tpu.vector_load %arg5[%swap3A_354, %swap3A_355] {strides = array<i32>} : memref<16x16xf32, #tpu.memory_space<vmem>>, vector<1x16xf32>,
      %swap3A_357 = vector.shape_cast %swap3A_356 : vector<1x16xf32> to vector<16xf32>
      %swap3A_358 = vector.shape_cast %add3A_352 : vector<16xf32> to vector<1x16xf32>
      tpu.vector_store %arg5[%swap3A_354, %swap3A_355], %swap3A_358 {strides = array<i32>} : memref<16x16xf32, #tpu.memory_space<vmem>>, vector<1x16xf32>,
      %eq3A_359 = arith.constant 3 : i32
      %eq3A_360 = vector.broadcast %eq3A_359 : i32 to vector<16xi32>
      %eq3A_361 = arith.cmpi eq, %select_n3A_156, %eq3A_360 : vector<16xi32>
      %select_n3A_362 = arith.select %eq3A_361, %div3A_303, %broadcast_in_dim3A_305 : vector<16xi1>, vector<16xf32>
      %eq3A_363 = arith.constant 3 : i32
      %eq3A_364 = vector.broadcast %eq3A_363 : i32 to vector<16xi32>
      %eq3A_365 = arith.cmpi eq, %select_n3A_298, %eq3A_364 : vector<16xi32>
      %sub3A_366 = arith.constant 1.000000e+00 : f32
      %sub3A_367 = vector.broadcast %sub3A_366 : f32 to vector<16xf32>
      %sub3A_368 = arith.subf %sub3A_367, %div3A_303 : vector<16xf32>
      %select_n3A_369 = arith.select %eq3A_365, %sub3A_368, %broadcast_in_dim3A_305 : vector<16xi1>, vector<16xf32>
      %add3A_370 = arith.addf %select_n3A_362, %select_n3A_369 : vector<16xf32>
      %swap3A_371 = arith.constant 3 : i32
      %swap3A_372 = arith.index_cast %swap3A_371 : i32 to index
      %swap3A_373 = arith.constant 0 : index
      %swap3A_374 = tpu.vector_load %arg5[%swap3A_372, %swap3A_373] {strides = array<i32>} : memref<16x16xf32, #tpu.memory_space<vmem>>, vector<1x16xf32>,
      %swap3A_375 = vector.shape_cast %swap3A_374 : vector<1x16xf32> to vector<16xf32>
      %swap3A_376 = vector.shape_cast %add3A_370 : vector<16xf32> to vector<1x16xf32>
      tpu.vector_store %arg5[%swap3A_372, %swap3A_373], %swap3A_376 {strides = array<i32>} : memref<16x16xf32, #tpu.memory_space<vmem>>, vector<1x16xf32>,
      %eq3A_377 = arith.constant 4 : i32
      %eq3A_378 = vector.broadcast %eq3A_377 : i32 to vector<16xi32>
      %eq3A_379 = arith.cmpi eq, %select_n3A_156, %eq3A_378 : vector<16xi32>
      %select_n3A_380 = arith.select %eq3A_379, %div3A_303, %broadcast_in_dim3A_305 : vector<16xi1>, vector<16xf32>
      %eq3A_381 = arith.constant 4 : i32
      %eq3A_382 = vector.broadcast %eq3A_381 : i32 to vector<16xi32>
      %eq3A_383 = arith.cmpi eq, %select_n3A_298, %eq3A_382 : vector<16xi32>
      %sub3A_384 = arith.constant 1.000000e+00 : f32
      %sub3A_385 = vector.broadcast %sub3A_384 : f32 to vector<16xf32>
      %sub3A_386 = arith.subf %sub3A_385, %div3A_303 : vector<16xf32>
      %select_n3A_387 = arith.select %eq3A_383, %sub3A_386, %broadcast_in_dim3A_305 : vector<16xi1>, vector<16xf32>
      %add3A_388 = arith.addf %select_n3A_380, %select_n3A_387 : vector<16xf32>
      %swap3A_389 = arith.constant 4 : i32
      %swap3A_390 = arith.index_cast %swap3A_389 : i32 to index
      %swap3A_391 = arith.constant 0 : index
      %swap3A_392 = tpu.vector_load %arg5[%swap3A_390, %swap3A_391] {strides = array<i32>} : memref<16x16xf32, #tpu.memory_space<vmem>>, vector<1x16xf32>,
      %swap3A_393 = vector.shape_cast %swap3A_392 : vector<1x16xf32> to vector<16xf32>
      %swap3A_394 = vector.shape_cast %add3A_388 : vector<16xf32> to vector<1x16xf32>
      tpu.vector_store %arg5[%swap3A_390, %swap3A_391], %swap3A_394 {strides = array<i32>} : memref<16x16xf32, #tpu.memory_space<vmem>>, vector<1x16xf32>,
      %eq3A_395 = arith.constant 5 : i32
      %eq3A_396 = vector.broadcast %eq3A_395 : i32 to vector<16xi32>
      %eq3A_397 = arith.cmpi eq, %select_n3A_156, %eq3A_396 : vector<16xi32>
      %select_n3A_398 = arith.select %eq3A_397, %div3A_303, %broadcast_in_dim3A_305 : vector<16xi1>, vector<16xf32>
      %eq3A_399 = arith.constant 5 : i32
      %eq3A_400 = vector.broadcast %eq3A_399 : i32 to vector<16xi32>
      %eq3A_401 = arith.cmpi eq, %select_n3A_298, %eq3A_400 : vector<16xi32>
      %sub3A_402 = arith.constant 1.000000e+00 : f32
      %sub3A_403 = vector.broadcast %sub3A_402 : f32 to vector<16xf32>
      %sub3A_404 = arith.subf %sub3A_403, %div3A_303 : vector<16xf32>
      %select_n3A_405 = arith.select %eq3A_401, %sub3A_404, %broadcast_in_dim3A_305 : vector<16xi1>, vector<16xf32>
      %add3A_406 = arith.addf %select_n3A_398, %select_n3A_405 : vector<16xf32>
      %swap3A_407 = arith.constant 5 : i32
      %swap3A_408 = arith.index_cast %swap3A_407 : i32 to index
      %swap3A_409 = arith.constant 0 : index
      %swap3A_410 = tpu.vector_load %arg5[%swap3A_408, %swap3A_409] {strides = array<i32>} : memref<16x16xf32, #tpu.memory_space<vmem>>, vector<1x16xf32>,
      %swap3A_411 = vector.shape_cast %swap3A_410 : vector<1x16xf32> to vector<16xf32>
      %swap3A_412 = vector.shape_cast %add3A_406 : vector<16xf32> to vector<1x16xf32>
      tpu.vector_store %arg5[%swap3A_408, %swap3A_409], %swap3A_412 {strides = array<i32>} : memref<16x16xf32, #tpu.memory_space<vmem>>, vector<1x16xf32>,
      %eq3A_413 = arith.constant 6 : i32
      %eq3A_414 = vector.broadcast %eq3A_413 : i32 to vector<16xi32>
      %eq3A_415 = arith.cmpi eq, %select_n3A_156, %eq3A_414 : vector<16xi32>
      %select_n3A_416 = arith.select %eq3A_415, %div3A_303, %broadcast_in_dim3A_305 : vector<16xi1>, vector<16xf32>
      %eq3A_417 = arith.constant 6 : i32
      %eq3A_418 = vector.broadcast %eq3A_417 : i32 to vector<16xi32>
      %eq3A_419 = arith.cmpi eq, %select_n3A_298, %eq3A_418 : vector<16xi32>
      %sub3A_420 = arith.constant 1.000000e+00 : f32
      %sub3A_421 = vector.broadcast %sub3A_420 : f32 to vector<16xf32>
      %sub3A_422 = arith.subf %sub3A_421, %div3A_303 : vector<16xf32>
      %select_n3A_423 = arith.select %eq3A_419, %sub3A_422, %broadcast_in_dim3A_305 : vector<16xi1>, vector<16xf32>
      %add3A_424 = arith.addf %select_n3A_416, %select_n3A_423 : vector<16xf32>
      %swap3A_425 = arith.constant 6 : i32
      %swap3A_426 = arith.index_cast %swap3A_425 : i32 to index
      %swap3A_427 = arith.constant 0 : index
      %swap3A_428 = tpu.vector_load %arg5[%swap3A_426, %swap3A_427] {strides = array<i32>} : memref<16x16xf32, #tpu.memory_space<vmem>>, vector<1x16xf32>,
      %swap3A_429 = vector.shape_cast %swap3A_428 : vector<1x16xf32> to vector<16xf32>
      %swap3A_430 = vector.shape_cast %add3A_424 : vector<16xf32> to vector<1x16xf32>
      tpu.vector_store %arg5[%swap3A_426, %swap3A_427], %swap3A_430 {strides = array<i32>} : memref<16x16xf32, #tpu.memory_space<vmem>>, vector<1x16xf32>,
      %eq3A_431 = arith.constant 7 : i32
      %eq3A_432 = vector.broadcast %eq3A_431 : i32 to vector<16xi32>
      %eq3A_433 = arith.cmpi eq, %select_n3A_156, %eq3A_432 : vector<16xi32>
      %select_n3A_434 = arith.select %eq3A_433, %div3A_303, %broadcast_in_dim3A_305 : vector<16xi1>, vector<16xf32>
      %eq3A_435 = arith.constant 7 : i32
      %eq3A_436 = vector.broadcast %eq3A_435 : i32 to vector<16xi32>
      %eq3A_437 = arith.cmpi eq, %select_n3A_298, %eq3A_436 : vector<16xi32>
      %sub3A_438 = arith.constant 1.000000e+00 : f32
      %sub3A_439 = vector.broadcast %sub3A_438 : f32 to vector<16xf32>
      %sub3A_440 = arith.subf %sub3A_439, %div3A_303 : vector<16xf32>
      %select_n3A_441 = arith.select %eq3A_437, %sub3A_440, %broadcast_in_dim3A_305 : vector<16xi1>, vector<16xf32>
      %add3A_442 = arith.addf %select_n3A_434, %select_n3A_441 : vector<16xf32>
      %swap3A_443 = arith.constant 7 : i32
      %swap3A_444 = arith.index_cast %swap3A_443 : i32 to index
      %swap3A_445 = arith.constant 0 : index
      %swap3A_446 = tpu.vector_load %arg5[%swap3A_444, %swap3A_445] {strides = array<i32>} : memref<16x16xf32, #tpu.memory_space<vmem>>, vector<1x16xf32>,
      %swap3A_447 = vector.shape_cast %swap3A_446 : vector<1x16xf32> to vector<16xf32>
      %swap3A_448 = vector.shape_cast %add3A_442 : vector<16xf32> to vector<1x16xf32>
      tpu.vector_store %arg5[%swap3A_444, %swap3A_445], %swap3A_448 {strides = array<i32>} : memref<16x16xf32, #tpu.memory_space<vmem>>, vector<1x16xf32>,
      %eq3A_449 = arith.constant 8 : i32
      %eq3A_450 = vector.broadcast %eq3A_449 : i32 to vector<16xi32>
      %eq3A_451 = arith.cmpi eq, %select_n3A_156, %eq3A_450 : vector<16xi32>
      %select_n3A_452 = arith.select %eq3A_451, %div3A_303, %broadcast_in_dim3A_305 : vector<16xi1>, vector<16xf32>
      %eq3A_453 = arith.constant 8 : i32
      %eq3A_454 = vector.broadcast %eq3A_453 : i32 to vector<16xi32>
      %eq3A_455 = arith.cmpi eq, %select_n3A_298, %eq3A_454 : vector<16xi32>
      %sub3A_456 = arith.constant 1.000000e+00 : f32
      %sub3A_457 = vector.broadcast %sub3A_456 : f32 to vector<16xf32>
      %sub3A_458 = arith.subf %sub3A_457, %div3A_303 : vector<16xf32>
      %select_n3A_459 = arith.select %eq3A_455, %sub3A_458, %broadcast_in_dim3A_305 : vector<16xi1>, vector<16xf32>
      %add3A_460 = arith.addf %select_n3A_452, %select_n3A_459 : vector<16xf32>
      %swap3A_461 = arith.constant 8 : i32
      %swap3A_462 = arith.index_cast %swap3A_461 : i32 to index
      %swap3A_463 = arith.constant 0 : index
      %swap3A_464 = tpu.vector_load %arg5[%swap3A_462, %swap3A_463] {strides = array<i32>} : memref<16x16xf32, #tpu.memory_space<vmem>>, vector<1x16xf32>,
      %swap3A_465 = vector.shape_cast %swap3A_464 : vector<1x16xf32> to vector<16xf32>
      %swap3A_466 = vector.shape_cast %add3A_460 : vector<16xf32> to vector<1x16xf32>
      tpu.vector_store %arg5[%swap3A_462, %swap3A_463], %swap3A_466 {strides = array<i32>} : memref<16x16xf32, #tpu.memory_space<vmem>>, vector<1x16xf32>,
      %eq3A_467 = arith.constant 9 : i32
      %eq3A_468 = vector.broadcast %eq3A_467 : i32 to vector<16xi32>
      %eq3A_469 = arith.cmpi eq, %select_n3A_156, %eq3A_468 : vector<16xi32>
      %select_n3A_470 = arith.select %eq3A_469, %div3A_303, %broadcast_in_dim3A_305 : vector<16xi1>, vector<16xf32>
      %eq3A_471 = arith.constant 9 : i32
      %eq3A_472 = vector.broadcast %eq3A_471 : i32 to vector<16xi32>
      %eq3A_473 = arith.cmpi eq, %select_n3A_298, %eq3A_472 : vector<16xi32>
      %sub3A_474 = arith.constant 1.000000e+00 : f32
      %sub3A_475 = vector.broadcast %sub3A_474 : f32 to vector<16xf32>
      %sub3A_476 = arith.subf %sub3A_475, %div3A_303 : vector<16xf32>
      %select_n3A_477 = arith.select %eq3A_473, %sub3A_476, %broadcast_in_dim3A_305 : vector<16xi1>, vector<16xf32>
      %add3A_478 = arith.addf %select_n3A_470, %select_n3A_477 : vector<16xf32>
      %swap3A_479 = arith.constant 9 : i32
      %swap3A_480 = arith.index_cast %swap3A_479 : i32 to index
      %swap3A_481 = arith.constant 0 : index
      %swap3A_482 = tpu.vector_load %arg5[%swap3A_480, %swap3A_481] {strides = array<i32>} : memref<16x16xf32, #tpu.memory_space<vmem>>, vector<1x16xf32>,
      %swap3A_483 = vector.shape_cast %swap3A_482 : vector<1x16xf32> to vector<16xf32>
      %swap3A_484 = vector.shape_cast %add3A_478 : vector<16xf32> to vector<1x16xf32>
      tpu.vector_store %arg5[%swap3A_480, %swap3A_481], %swap3A_484 {strides = array<i32>} : memref<16x16xf32, #tpu.memory_space<vmem>>, vector<1x16xf32>,
      %eq3A_485 = arith.constant 10 : i32
      %eq3A_486 = vector.broadcast %eq3A_485 : i32 to vector<16xi32>
      %eq3A_487 = arith.cmpi eq, %select_n3A_156, %eq3A_486 : vector<16xi32>
      %select_n3A_488 = arith.select %eq3A_487, %div3A_303, %broadcast_in_dim3A_305 : vector<16xi1>, vector<16xf32>
      %eq3A_489 = arith.constant 10 : i32
      %eq3A_490 = vector.broadcast %eq3A_489 : i32 to vector<16xi32>
      %eq3A_491 = arith.cmpi eq, %select_n3A_298, %eq3A_490 : vector<16xi32>
      %sub3A_492 = arith.constant 1.000000e+00 : f32
      %sub3A_493 = vector.broadcast %sub3A_492 : f32 to vector<16xf32>
      %sub3A_494 = arith.subf %sub3A_493, %div3A_303 : vector<16xf32>
      %select_n3A_495 = arith.select %eq3A_491, %sub3A_494, %broadcast_in_dim3A_305 : vector<16xi1>, vector<16xf32>
      %add3A_496 = arith.addf %select_n3A_488, %select_n3A_495 : vector<16xf32>
      %swap3A_497 = arith.constant 10 : i32
      %swap3A_498 = arith.index_cast %swap3A_497 : i32 to index
      %swap3A_499 = arith.constant 0 : index
      %swap3A_500 = tpu.vector_load %arg5[%swap3A_498, %swap3A_499] {strides = array<i32>} : memref<16x16xf32, #tpu.memory_space<vmem>>, vector<1x16xf32>,
      %swap3A_501 = vector.shape_cast %swap3A_500 : vector<1x16xf32> to vector<16xf32>
      %swap3A_502 = vector.shape_cast %add3A_496 : vector<16xf32> to vector<1x16xf32>
      tpu.vector_store %arg5[%swap3A_498, %swap3A_499], %swap3A_502 {strides = array<i32>} : memref<16x16xf32, #tpu.memory_space<vmem>>, vector<1x16xf32>,
      %eq3A_503 = arith.constant 11 : i32
      %eq3A_504 = vector.broadcast %eq3A_503 : i32 to vector<16xi32>
      %eq3A_505 = arith.cmpi eq, %select_n3A_156, %eq3A_504 : vector<16xi32>
      %select_n3A_506 = arith.select %eq3A_505, %div3A_303, %broadcast_in_dim3A_305 : vector<16xi1>, vector<16xf32>
      %eq3A_507 = arith.constant 11 : i32
      %eq3A_508 = vector.broadcast %eq3A_507 : i32 to vector<16xi32>
      %eq3A_509 = arith.cmpi eq, %select_n3A_298, %eq3A_508 : vector<16xi32>
      %sub3A_510 = arith.constant 1.000000e+00 : f32
      %sub3A_511 = vector.broadcast %sub3A_510 : f32 to vector<16xf32>
      %sub3A_512 = arith.subf %sub3A_511, %div3A_303 : vector<16xf32>
      %select_n3A_513 = arith.select %eq3A_509, %sub3A_512, %broadcast_in_dim3A_305 : vector<16xi1>, vector<16xf32>
      %add3A_514 = arith.addf %select_n3A_506, %select_n3A_513 : vector<16xf32>
      %swap3A_515 = arith.constant 11 : i32
      %swap3A_516 = arith.index_cast %swap3A_515 : i32 to index
      %swap3A_517 = arith.constant 0 : index
      %swap3A_518 = tpu.vector_load %arg5[%swap3A_516, %swap3A_517] {strides = array<i32>} : memref<16x16xf32, #tpu.memory_space<vmem>>, vector<1x16xf32>,
      %swap3A_519 = vector.shape_cast %swap3A_518 : vector<1x16xf32> to vector<16xf32>
      %swap3A_520 = vector.shape_cast %add3A_514 : vector<16xf32> to vector<1x16xf32>
      tpu.vector_store %arg5[%swap3A_516, %swap3A_517], %swap3A_520 {strides = array<i32>} : memref<16x16xf32, #tpu.memory_space<vmem>>, vector<1x16xf32>,
      %eq3A_521 = arith.constant 12 : i32
      %eq3A_522 = vector.broadcast %eq3A_521 : i32 to vector<16xi32>
      %eq3A_523 = arith.cmpi eq, %select_n3A_156, %eq3A_522 : vector<16xi32>
      %select_n3A_524 = arith.select %eq3A_523, %div3A_303, %broadcast_in_dim3A_305 : vector<16xi1>, vector<16xf32>
      %eq3A_525 = arith.constant 12 : i32
      %eq3A_526 = vector.broadcast %eq3A_525 : i32 to vector<16xi32>
      %eq3A_527 = arith.cmpi eq, %select_n3A_298, %eq3A_526 : vector<16xi32>
      %sub3A_528 = arith.constant 1.000000e+00 : f32
      %sub3A_529 = vector.broadcast %sub3A_528 : f32 to vector<16xf32>
      %sub3A_530 = arith.subf %sub3A_529, %div3A_303 : vector<16xf32>
      %select_n3A_531 = arith.select %eq3A_527, %sub3A_530, %broadcast_in_dim3A_305 : vector<16xi1>, vector<16xf32>
      %add3A_532 = arith.addf %select_n3A_524, %select_n3A_531 : vector<16xf32>
      %swap3A_533 = arith.constant 12 : i32
      %swap3A_534 = arith.index_cast %swap3A_533 : i32 to index
      %swap3A_535 = arith.constant 0 : index
      %swap3A_536 = tpu.vector_load %arg5[%swap3A_534, %swap3A_535] {strides = array<i32>} : memref<16x16xf32, #tpu.memory_space<vmem>>, vector<1x16xf32>,
      %swap3A_537 = vector.shape_cast %swap3A_536 : vector<1x16xf32> to vector<16xf32>
      %swap3A_538 = vector.shape_cast %add3A_532 : vector<16xf32> to vector<1x16xf32>
      tpu.vector_store %arg5[%swap3A_534, %swap3A_535], %swap3A_538 {strides = array<i32>} : memref<16x16xf32, #tpu.memory_space<vmem>>, vector<1x16xf32>,
      %eq3A_539 = arith.constant 13 : i32
      %eq3A_540 = vector.broadcast %eq3A_539 : i32 to vector<16xi32>
      %eq3A_541 = arith.cmpi eq, %select_n3A_156, %eq3A_540 : vector<16xi32>
      %select_n3A_542 = arith.select %eq3A_541, %div3A_303, %broadcast_in_dim3A_305 : vector<16xi1>, vector<16xf32>
      %eq3A_543 = arith.constant 13 : i32
      %eq3A_544 = vector.broadcast %eq3A_543 : i32 to vector<16xi32>
      %eq3A_545 = arith.cmpi eq, %select_n3A_298, %eq3A_544 : vector<16xi32>
      %sub3A_546 = arith.constant 1.000000e+00 : f32
      %sub3A_547 = vector.broadcast %sub3A_546 : f32 to vector<16xf32>
      %sub3A_548 = arith.subf %sub3A_547, %div3A_303 : vector<16xf32>
      %select_n3A_549 = arith.select %eq3A_545, %sub3A_548, %broadcast_in_dim3A_305 : vector<16xi1>, vector<16xf32>
      %add3A_550 = arith.addf %select_n3A_542, %select_n3A_549 : vector<16xf32>
      %swap3A_551 = arith.constant 13 : i32
      %swap3A_552 = arith.index_cast %swap3A_551 : i32 to index
      %swap3A_553 = arith.constant 0 : index
      %swap3A_554 = tpu.vector_load %arg5[%swap3A_552, %swap3A_553] {strides = array<i32>} : memref<16x16xf32, #tpu.memory_space<vmem>>, vector<1x16xf32>,
      %swap3A_555 = vector.shape_cast %swap3A_554 : vector<1x16xf32> to vector<16xf32>
      %swap3A_556 = vector.shape_cast %add3A_550 : vector<16xf32> to vector<1x16xf32>
      tpu.vector_store %arg5[%swap3A_552, %swap3A_553], %swap3A_556 {strides = array<i32>} : memref<16x16xf32, #tpu.memory_space<vmem>>, vector<1x16xf32>,
      %eq3A_557 = arith.constant 14 : i32
      %eq3A_558 = vector.broadcast %eq3A_557 : i32 to vector<16xi32>
      %eq3A_559 = arith.cmpi eq, %select_n3A_156, %eq3A_558 : vector<16xi32>
      %select_n3A_560 = arith.select %eq3A_559, %div3A_303, %broadcast_in_dim3A_305 : vector<16xi1>, vector<16xf32>
      %eq3A_561 = arith.constant 14 : i32
      %eq3A_562 = vector.broadcast %eq3A_561 : i32 to vector<16xi32>
      %eq3A_563 = arith.cmpi eq, %select_n3A_298, %eq3A_562 : vector<16xi32>
      %sub3A_564 = arith.constant 1.000000e+00 : f32
      %sub3A_565 = vector.broadcast %sub3A_564 : f32 to vector<16xf32>
      %sub3A_566 = arith.subf %sub3A_565, %div3A_303 : vector<16xf32>
      %select_n3A_567 = arith.select %eq3A_563, %sub3A_566, %broadcast_in_dim3A_305 : vector<16xi1>, vector<16xf32>
      %add3A_568 = arith.addf %select_n3A_560, %select_n3A_567 : vector<16xf32>
      %swap3A_569 = arith.constant 14 : i32
      %swap3A_570 = arith.index_cast %swap3A_569 : i32 to index
      %swap3A_571 = arith.constant 0 : index
      %swap3A_572 = tpu.vector_load %arg5[%swap3A_570, %swap3A_571] {strides = array<i32>} : memref<16x16xf32, #tpu.memory_space<vmem>>, vector<1x16xf32>,
      %swap3A_573 = vector.shape_cast %swap3A_572 : vector<1x16xf32> to vector<16xf32>
      %swap3A_574 = vector.shape_cast %add3A_568 : vector<16xf32> to vector<1x16xf32>
      tpu.vector_store %arg5[%swap3A_570, %swap3A_571], %swap3A_574 {strides = array<i32>} : memref<16x16xf32, #tpu.memory_space<vmem>>, vector<1x16xf32>,
      %eq3A_575 = arith.constant 15 : i32
      %eq3A_576 = vector.broadcast %eq3A_575 : i32 to vector<16xi32>
      %eq3A_577 = arith.cmpi eq, %select_n3A_156, %eq3A_576 : vector<16xi32>
      %select_n3A_578 = arith.select %eq3A_577, %div3A_303, %broadcast_in_dim3A_305 : vector<16xi1>, vector<16xf32>
      %eq3A_579 = arith.constant 15 : i32
      %eq3A_580 = vector.broadcast %eq3A_579 : i32 to vector<16xi32>
      %eq3A_581 = arith.cmpi eq, %select_n3A_298, %eq3A_580 : vector<16xi32>
      %sub3A_582 = arith.constant 1.000000e+00 : f32
      %sub3A_583 = vector.broadcast %sub3A_582 : f32 to vector<16xf32>
      %sub3A_584 = arith.subf %sub3A_583, %div3A_303 : vector<16xf32>
      %select_n3A_585 = arith.select %eq3A_581, %sub3A_584, %broadcast_in_dim3A_305 : vector<16xi1>, vector<16xf32>
      %add3A_586 = arith.addf %select_n3A_578, %select_n3A_585 : vector<16xf32>
      %swap3A_587 = arith.constant 15 : i32
      %swap3A_588 = arith.index_cast %swap3A_587 : i32 to index
      %swap3A_589 = arith.constant 0 : index
      %swap3A_590 = tpu.vector_load %arg5[%swap3A_588, %swap3A_589] {strides = array<i32>} : memref<16x16xf32, #tpu.memory_space<vmem>>, vector<1x16xf32>,
      %swap3A_591 = vector.shape_cast %swap3A_590 : vector<1x16xf32> to vector<16xf32>
      %swap3A_592 = vector.shape_cast %add3A_586 : vector<16xf32> to vector<1x16xf32>
      tpu.vector_store %arg5[%swap3A_588, %swap3A_589], %swap3A_592 {strides = array<i32>} : memref<16x16xf32, #tpu.memory_space<vmem>>, vector<1x16xf32>,
      "tpu.region"() ({
        %run_scoped3A = tpu.sem_alloc : memref<!tpu.dma_semaphore, #tpu.memory_space<semaphore_mem>>
        %dma_start3A = arith.constant 0 : i32
        %dma_start3A_593 = arith.constant 0 : i32
        %dma_start3A_594 = tpu.memref_slice %arg3[%add3A, %dma_start3A, %dma_start3A_593] : memref<8x16x16xf32, #tpu.memory_space<hbm>> -> memref<1x16x16xf32, #tpu.memory_space<hbm>>
        %dma_start3A_595 = tpu.memref_squeeze %dma_start3A_594 : memref<1x16x16xf32, #tpu.memory_space<hbm>> -> memref<16x16xf32, #tpu.memory_space<hbm>>
        %dma_start3A_596 = arith.constant 0 : i32
        %dma_start3A_597 = arith.constant 0 : i32
        %dma_start3A_598 = tpu.memref_slice %arg3[%add3A, %dma_start3A_596, %dma_start3A_597] : memref<8x16x16xf32, #tpu.memory_space<hbm>> -> memref<1x16x16xf32, #tpu.memory_space<hbm>>
        %dma_start3A_599 = tpu.memref_squeeze %dma_start3A_598 : memref<1x16x16xf32, #tpu.memory_space<hbm>> -> memref<16x16xf32, #tpu.memory_space<hbm>>
        tpu.enqueue_dma source(%arg5 : memref<16x16xf32, #tpu.memory_space<vmem>>) target(%dma_start3A_599 : memref<16x16xf32, #tpu.memory_space<hbm>>) target_semaphore(%run_scoped3A : memref<!tpu.dma_semaphore, #tpu.memory_space<semaphore_mem>>)
        %dma_wait3A = arith.constant 0 : i32
        %dma_wait3A_600 = arith.constant 0 : i32
        %dma_wait3A_601 = tpu.memref_slice %arg3[%add3A, %dma_wait3A, %dma_wait3A_600] : memref<8x16x16xf32, #tpu.memory_space<hbm>> -> memref<1x16x16xf32, #tpu.memory_space<hbm>>
        %dma_wait3A_602 = tpu.memref_squeeze %dma_wait3A_601 : memref<1x16x16xf32, #tpu.memory_space<hbm>> -> memref<16x16xf32, #tpu.memory_space<hbm>>
        %dma_wait3A_603 = arith.constant 0 : i32
        %dma_wait3A_604 = arith.constant 0 : i32
        %dma_wait3A_605 = tpu.memref_slice %arg3[%add3A, %dma_wait3A_603, %dma_wait3A_604] : memref<8x16x16xf32, #tpu.memory_space<hbm>> -> memref<1x16x16xf32, #tpu.memory_space<hbm>>
        %dma_wait3A_606 = tpu.memref_squeeze %dma_wait3A_605 : memref<1x16x16xf32, #tpu.memory_space<hbm>> -> memref<16x16xf32, #tpu.memory_space<hbm>>
        tpu.wait_dma2 semaphore(%run_scoped3A : memref<!tpu.dma_semaphore, #tpu.memory_space<semaphore_mem>>) src(%arg5 : memref<16x16xf32, #tpu.memory_space<vmem>>) dst(%dma_wait3A_606 : memref<16x16xf32, #tpu.memory_space<hbm>>)
        tpu.yield
      }) : () -> ()
    } else {
    }
    return
  }
}

module attributes {stable_mosaic.version = 14 : i64} {
  func.func @_moe_body_a(%arg0: i32, %arg1: memref<128x16xf32, #tpu.memory_space<vmem>>, %arg2: memref<128x1024xf32, #tpu.memory_space<vmem>>, %arg3: memref<1x1024x1024xf32, #tpu.memory_space<vmem>>, %arg4: memref<1x1024x1024xf32, #tpu.memory_space<vmem>>, %arg5: memref<1x1024x1024xf32, #tpu.memory_space<vmem>>, %arg6: memref<128x1024xf32, #tpu.memory_space<vmem>>) attributes {dimension_semantics = [#tpu.dimension_semantics<arbitrary>], iteration_bounds = array<i64: 2>, scalar_prefetch = 0 : i64, scratch_operands = 0 : i64, tpu.core_type = #tpu.core_type<tc>, window_params = [{pipeline_mode = #tpu.pipeline_mode<synchronous>, transform_indices = @transform_0, window_bounds = array<i64: 128, 16>}, {pipeline_mode = #tpu.pipeline_mode<synchronous>, transform_indices = @transform_1, window_bounds = array<i64: 128, 1024>}, {transform_indices = @transform_2, window_bounds = array<i64: 1, 1024, 1024>}, {transform_indices = @transform_3, window_bounds = array<i64: 1, 1024, 1024>}, {transform_indices = @transform_4, window_bounds = array<i64: 1, 1024, 1024>}, {pipeline_mode = #tpu.pipeline_mode<synchronous>, transform_indices = @transform_5, window_bounds = array<i64: 128, 1024>}]} {
    %eq3A = arith.constant 0 : i32
    %eq3A_0 = arith.cmpi eq, %arg0, %eq3A : i32
    %convert_element_type3A = arith.extui %eq3A_0 : i1 to i32
    %cond3A = arith.constant 0 : i32
    %cond3A_1 = arith.cmpi ne, %convert_element_type3A, %cond3A : i32
    scf.if %cond3A_1 {
      %broadcast_in_dim3A_93 = arith.constant 0.000000e+00 : f32
      %broadcast_in_dim3A_94 = vector.broadcast %broadcast_in_dim3A_93 : f32 to vector<128x1024xf32>
      %swap3A_95 = arith.constant 0 : index
      %swap3A_96 = arith.constant 0 : index
      %swap3A_97 = vector.load %arg6[%swap3A_95, %swap3A_96] : memref<128x1024xf32, #tpu.memory_space<vmem>>, vector<128x1024xf32>
      tpu.vector_store %arg6[%swap3A_95, %swap3A_96], %broadcast_in_dim3A_94 {strides = array<i32>} : memref<128x1024xf32, #tpu.memory_space<vmem>>, vector<128x1024xf32>,
    } else {
    }
    %get3A = arith.constant 0 : index
    %get3A_2 = arith.constant 0 : index
    %get3A_3 = vector.load %arg2[%get3A, %get3A_2] : memref<128x1024xf32, #tpu.memory_space<vmem>>, vector<128x1024xf32>
    %get3A_4 = arith.constant 0 : index
    %get3A_5 = arith.constant 0 : index
    %get3A_6 = arith.constant 0 : index
    %get3A_7 = vector.load %arg3[%get3A_4, %get3A_5, %get3A_6] : memref<1x1024x1024xf32, #tpu.memory_space<vmem>>, vector<1x1024x1024xf32>
    %get3A_8 = vector.shape_cast %get3A_7 : vector<1x1024x1024xf32> to vector<1024x1024xf32>
    %dot_general3A = arith.constant dense<0.000000e+00> : vector<128x1024xf32>
    %dot_general3A_9 = tpu.matmul %get3A_3, %get3A_8, %dot_general3A {dimension_numbers = #tpu.dot_dimension_numbers<[1], [1], [0], [0], [0, 0, 1, 0], [], []>, transpose_lhs_hint = false} : vector<128x1024xf32>, vector<1024x1024xf32>, vector<128x1024xf32> -> vector<128x1024xf32>
    %get3A_10 = arith.constant 0 : index
    %get3A_11 = arith.constant 0 : index
    %get3A_12 = arith.constant 0 : index
    %get3A_13 = vector.load %arg4[%get3A_10, %get3A_11, %get3A_12] : memref<1x1024x1024xf32, #tpu.memory_space<vmem>>, vector<1x1024x1024xf32>
    %get3A_14 = vector.shape_cast %get3A_13 : vector<1x1024x1024xf32> to vector<1024x1024xf32>
    %dot_general3A_15 = arith.constant dense<0.000000e+00> : vector<128x1024xf32>
    %dot_general3A_16 = tpu.matmul %get3A_3, %get3A_14, %dot_general3A_15 {dimension_numbers = #tpu.dot_dimension_numbers<[1], [1], [0], [0], [0, 0, 1, 0], [], []>, transpose_lhs_hint = false} : vector<128x1024xf32>, vector<1024x1024xf32>, vector<128x1024xf32> -> vector<128x1024xf32>
    %neg3A = arith.constant 0.000000e+00 : f32
    %neg3A_17 = vector.broadcast %neg3A : f32 to vector<128x1024xf32>
    %neg3A_18 = arith.subf %neg3A_17, %dot_general3A_9 : vector<128x1024xf32>
    %exp3A = math.exp %neg3A_18 : vector<128x1024xf32>
    %add3A = arith.constant 1.000000e+00 : f32
    %add3A_19 = vector.broadcast %add3A : f32 to vector<128x1024xf32>
    %add3A_20 = arith.addf %add3A_19, %exp3A : vector<128x1024xf32>
    %div3A = arith.constant 1.000000e+00 : f32
    %div3A_21 = vector.broadcast %div3A : f32 to vector<128x1024xf32>
    %div3A_22 = arith.divf %div3A_21, %add3A_20 : vector<128x1024xf32>
    %mul3A = arith.mulf %dot_general3A_9, %div3A_22 : vector<128x1024xf32>
    %mul3A_23 = arith.mulf %mul3A, %dot_general3A_16 : vector<128x1024xf32>
    %get3A_24 = arith.constant 0 : index
    %get3A_25 = arith.constant 0 : index
    %get3A_26 = vector.load %arg1[%get3A_24, %get3A_25] : memref<128x16xf32, #tpu.memory_space<vmem>>, vector<128x16xf32>
    %reduce_max3A = arith.constant dense<0xFF800000> : vector<128xf32>
    %reduce_max3A_27 = vector.multi_reduction <maximumf>, %get3A_26, %reduce_max3A [1] : vector<128x16xf32> to vector<128xf32>
    %max3A = arith.constant 0xFF800000 : f32
    %max3A_28 = vector.broadcast %max3A : f32 to vector<128xf32>
    %max3A_29 = arith.maximumf %max3A_28, %reduce_max3A_27 : vector<128xf32>
    %broadcast_in_dim3A = vector.shape_cast %max3A_29 : vector<128xf32> to vector<128x1xf32>
    %sub3A = vector.broadcast %broadcast_in_dim3A : vector<128x1xf32> to vector<128x16xf32>
    %sub3A_30 = arith.subf %get3A_26, %sub3A : vector<128x16xf32>
    %exp3A_31 = math.exp %sub3A_30 : vector<128x16xf32>
    %reduce_sum3A = arith.constant dense<0.000000e+00> : vector<128xf32>
    %reduce_sum3A_32 = vector.multi_reduction <add>, %exp3A_31, %reduce_sum3A [1] : vector<128x16xf32> to vector<128xf32>
    %broadcast_in_dim3A_33 = vector.shape_cast %reduce_sum3A_32 : vector<128xf32> to vector<128x1xf32>
    %div3A_34 = vector.broadcast %broadcast_in_dim3A_33 : vector<128x1xf32> to vector<128x16xf32>
    %div3A_35 = arith.divf %exp3A_31, %div3A_34 : vector<128x16xf32>
    %iota3A = tpu.iota {dimensions = array<i32: 1>} : vector<128x16xi32>
    %reduce_max3A_36 = arith.constant dense<0xFF800000> : vector<128xf32>
    %reduce_max3A_37 = vector.multi_reduction <maximumf>, %div3A_35, %reduce_max3A_36 [1] : vector<128x16xf32> to vector<128xf32>
    %broadcast_in_dim3A_38 = vector.shape_cast %reduce_max3A_37 : vector<128xf32> to vector<128x1xf32>
    %eq3A_39 = vector.broadcast %broadcast_in_dim3A_38 : vector<128x1xf32> to vector<128x16xf32>
    %eq3A_40 = arith.cmpf oeq, %div3A_35, %eq3A_39 : vector<128x16xf32>
    %jit3A = arith.constant 16 : i32
    %broadcast_in_dim3A_41 = vector.broadcast %jit3A : i32 to vector<128x16xi32>
    %select_n3A = arith.select %eq3A_40, %iota3A, %broadcast_in_dim3A_41 : vector<128x16xi1>, vector<128x16xi32>
    %reduce_min3A = arith.constant dense<2147483647> : vector<128xi32>
    %reduce_min3A_42 = vector.multi_reduction <minsi>, %select_n3A, %reduce_min3A [1] : vector<128x16xi32> to vector<128xi32>
    %broadcast_in_dim3A_43 = vector.shape_cast %reduce_min3A_42 : vector<128xi32> to vector<128x1xi32>
    %eq3A_44 = vector.broadcast %broadcast_in_dim3A_43 : vector<128x1xi32> to vector<128x16xi32>
    %eq3A_45 = arith.cmpi eq, %iota3A, %eq3A_44 : vector<128x16xi32>
    %jit3A_46 = arith.constant 0xFF800000 : f32
    %broadcast_in_dim3A_47 = vector.broadcast %jit3A_46 : f32 to vector<128x16xf32>
    %select_n3A_48 = arith.select %eq3A_45, %broadcast_in_dim3A_47, %div3A_35 : vector<128x16xi1>, vector<128x16xf32>
    %reduce_max3A_49 = arith.constant dense<0xFF800000> : vector<128xf32>
    %reduce_max3A_50 = vector.multi_reduction <maximumf>, %select_n3A_48, %reduce_max3A_49 [1] : vector<128x16xf32> to vector<128xf32>
    %broadcast_in_dim3A_51 = vector.shape_cast %reduce_max3A_50 : vector<128xf32> to vector<128x1xf32>
    %eq3A_52 = vector.broadcast %broadcast_in_dim3A_51 : vector<128x1xf32> to vector<128x16xf32>
    %eq3A_53 = arith.cmpf oeq, %select_n3A_48, %eq3A_52 : vector<128x16xf32>
    %jit3A_54 = arith.constant 16 : i32
    %broadcast_in_dim3A_55 = vector.broadcast %jit3A_54 : i32 to vector<128x16xi32>
    %select_n3A_56 = arith.select %eq3A_53, %iota3A, %broadcast_in_dim3A_55 : vector<128x16xi1>, vector<128x16xi32>
    %reduce_min3A_57 = arith.constant dense<2147483647> : vector<128xi32>
    %reduce_min3A_58 = vector.multi_reduction <minsi>, %select_n3A_56, %reduce_min3A_57 [1] : vector<128x16xi32> to vector<128xi32>
    %broadcast_in_dim3A_59 = vector.shape_cast %reduce_min3A_58 : vector<128xi32> to vector<128x1xi32>
    %add3A_60 = arith.addf %broadcast_in_dim3A_38, %broadcast_in_dim3A_51 : vector<128x1xf32>
    %eq3A_61 = vector.broadcast %broadcast_in_dim3A_43 : vector<128x1xi32> to vector<128x16xi32>
    %eq3A_62 = arith.cmpi eq, %iota3A, %eq3A_61 : vector<128x16xi32>
    %div3A_63 = arith.divf %broadcast_in_dim3A_38, %add3A_60 : vector<128x1xf32>
    %jit3A_64 = arith.constant 0.000000e+00 : f32
    %broadcast_in_dim3A_65 = vector.shape_cast %div3A_63 : vector<128x1xf32> to vector<128x1xf32>
    %broadcast_in_dim3A_66 = vector.broadcast %broadcast_in_dim3A_65 : vector<128x1xf32> to vector<128x16xf32>
    %broadcast_in_dim3A_67 = vector.broadcast %jit3A_64 : f32 to vector<128x16xf32>
    %select_n3A_68 = arith.select %eq3A_62, %broadcast_in_dim3A_66, %broadcast_in_dim3A_67 : vector<128x16xi1>, vector<128x16xf32>
    %eq3A_69 = vector.broadcast %broadcast_in_dim3A_59 : vector<128x1xi32> to vector<128x16xi32>
    %eq3A_70 = arith.cmpi eq, %iota3A, %eq3A_69 : vector<128x16xi32>
    %div3A_71 = arith.divf %broadcast_in_dim3A_51, %add3A_60 : vector<128x1xf32>
    %jit3A_72 = arith.constant 0.000000e+00 : f32
    %broadcast_in_dim3A_73 = vector.shape_cast %div3A_71 : vector<128x1xf32> to vector<128x1xf32>
    %broadcast_in_dim3A_74 = vector.broadcast %broadcast_in_dim3A_73 : vector<128x1xf32> to vector<128x16xf32>
    %broadcast_in_dim3A_75 = vector.broadcast %jit3A_72 : f32 to vector<128x16xf32>
    %select_n3A_76 = arith.select %eq3A_70, %broadcast_in_dim3A_74, %broadcast_in_dim3A_75 : vector<128x16xi1>, vector<128x16xf32>
    %add3A_77 = arith.addf %select_n3A_68, %select_n3A_76 : vector<128x16xf32>
    %slice3A = vector.extract_strided_slice %add3A_77 {offsets = [0, 0], sizes = [128, 1], strides = [1, 1]} : vector<128x16xf32> to vector<128x1xf32>
    %get3A_78 = arith.constant 0 : index
    %get3A_79 = arith.constant 0 : index
    %get3A_80 = vector.load %arg6[%get3A_78, %get3A_79] : memref<128x1024xf32, #tpu.memory_space<vmem>>, vector<128x1024xf32>
    %mul3A_81 = vector.broadcast %slice3A : vector<128x1xf32> to vector<128x1024xf32>
    %mul3A_82 = arith.mulf %mul3A_23, %mul3A_81 : vector<128x1024xf32>
    %get3A_83 = arith.constant 0 : index
    %get3A_84 = arith.constant 0 : index
    %get3A_85 = arith.constant 0 : index
    %get3A_86 = vector.load %arg5[%get3A_83, %get3A_84, %get3A_85] : memref<1x1024x1024xf32, #tpu.memory_space<vmem>>, vector<1x1024x1024xf32>
    %get3A_87 = vector.shape_cast %get3A_86 : vector<1x1024x1024xf32> to vector<1024x1024xf32>
    %dot_general3A_88 = arith.constant dense<0.000000e+00> : vector<128x1024xf32>
    %dot_general3A_89 = tpu.matmul %mul3A_82, %get3A_87, %dot_general3A_88 {dimension_numbers = #tpu.dot_dimension_numbers<[1], [1], [0], [0], [0, 0, 1, 0], [], []>, transpose_lhs_hint = false} : vector<128x1024xf32>, vector<1024x1024xf32>, vector<128x1024xf32> -> vector<128x1024xf32>
    %add3A_90 = arith.addf %get3A_80, %dot_general3A_89 : vector<128x1024xf32>
    %swap3A = arith.constant 0 : index
    %swap3A_91 = arith.constant 0 : index
    %swap3A_92 = vector.load %arg6[%swap3A, %swap3A_91] : memref<128x1024xf32, #tpu.memory_space<vmem>>, vector<128x1024xf32>
    tpu.vector_store %arg6[%swap3A, %swap3A_91], %add3A_90 {strides = array<i32>} : memref<128x1024xf32, #tpu.memory_space<vmem>>, vector<128x1024xf32>,
    return
  }
  func.func @transform_0(%arg0: i32) -> (i32, i32) {
    %c0_i32 = arith.constant 0 : i32
    %c0_i32_0 = arith.constant 0 : i32
    %c0_i32_1 = arith.constant 0 : i32
    return %c0_i32, %c0_i32_0 : i32, i32
  }
  func.func @transform_1(%arg0: i32) -> (i32, i32) {
    %c0_i32 = arith.constant 0 : i32
    %c0_i32_0 = arith.constant 0 : i32
    %c0_i32_1 = arith.constant 0 : i32
    return %c0_i32, %c0_i32_0 : i32, i32
  }
  func.func @transform_2(%arg0: i32) -> (i32, i32, i32) {
    %c0_i32 = arith.constant 0 : i32
    %c0_i32_0 = arith.constant 0 : i32
    %c0_i32_1 = arith.constant 0 : i32
    return %c0_i32, %arg0, %c0_i32_0 : i32, i32, i32
  }
  func.func @transform_3(%arg0: i32) -> (i32, i32, i32) {
    %add3A = arith.constant 2 : i32
    %add3A_0 = arith.addi %add3A, %arg0 : i32
    %c0_i32 = arith.constant 0 : i32
    %c0_i32_1 = arith.constant 0 : i32
    %c0_i32_2 = arith.constant 0 : i32
    return %c0_i32, %add3A_0, %c0_i32_1 : i32, i32, i32
  }
  func.func @transform_4(%arg0: i32) -> (i32, i32, i32) {
    %c0_i32 = arith.constant 0 : i32
    %c0_i32_0 = arith.constant 0 : i32
    %c0_i32_1 = arith.constant 0 : i32
    return %c0_i32, %c0_i32_0, %arg0 : i32, i32, i32
  }
  func.func @transform_5(%arg0: i32) -> (i32, i32) {
    %c0_i32 = arith.constant 0 : i32
    %c0_i32_0 = arith.constant 0 : i32
    %c0_i32_1 = arith.constant 0 : i32
    return %c0_i32, %c0_i32_0 : i32, i32
  }
}

module attributes {stable_mosaic.version = 14 : i64} {
  func.func @_moe_body_b(%arg0: i32, %arg1: i32, %arg2: memref<8x16x16xf32, #tpu.memory_space<vmem>>, %arg3: memref<128x1024xf32, #tpu.memory_space<vmem>>, %arg4: memref<128x1024xf32, #tpu.memory_space<vmem>>, %arg5: memref<1x1024x1024xf32, #tpu.memory_space<vmem>>, %arg6: memref<1x1024x1024xf32, #tpu.memory_space<vmem>>, %arg7: memref<1x1024x1024xf32, #tpu.memory_space<vmem>>, %arg8: memref<128x1024xf32, #tpu.memory_space<vmem>>) attributes {dimension_semantics = [#tpu.dimension_semantics<arbitrary>, #tpu.dimension_semantics<arbitrary>], iteration_bounds = array<i64: 15, 2>, scalar_prefetch = 0 : i64, scratch_operands = 0 : i64, tpu.core_type = #tpu.core_type<tc>, window_params = [{pipeline_mode = #tpu.pipeline_mode<synchronous>, transform_indices = @transform_0, window_bounds = array<i64: 8, 16, 16>}, {pipeline_mode = #tpu.pipeline_mode<synchronous>, transform_indices = @transform_1, window_bounds = array<i64: 128, 1024>}, {pipeline_mode = #tpu.pipeline_mode<synchronous>, transform_indices = @transform_2, window_bounds = array<i64: 128, 1024>}, {transform_indices = @transform_3, window_bounds = array<i64: 1, 1024, 1024>}, {transform_indices = @transform_4, window_bounds = array<i64: 1, 1024, 1024>}, {transform_indices = @transform_5, window_bounds = array<i64: 1, 1024, 1024>}, {pipeline_mode = #tpu.pipeline_mode<synchronous>, transform_indices = @transform_6, window_bounds = array<i64: 128, 1024>}]} {
    %add3A = arith.constant 1 : i32
    %add3A_0 = arith.addi %arg0, %add3A : i32
    %eq3A = arith.constant 0 : i32
    %eq3A_1 = arith.cmpi eq, %arg0, %eq3A : i32
    %eq3A_2 = arith.constant 0 : i32
    %eq3A_3 = arith.cmpi eq, %arg1, %eq3A_2 : i32
    %and3A = arith.andi %eq3A_1, %eq3A_3 : i1
    %convert_element_type3A = arith.extui %and3A : i1 to i32
    %cond3A = arith.constant 0 : i32
    %cond3A_4 = arith.cmpi ne, %convert_element_type3A, %cond3A : i32
    scf.if %cond3A_4 {
      %get3A_111 = arith.constant 0 : index
      %get3A_112 = arith.constant 0 : index
      %get3A_113 = vector.load %arg3[%get3A_111, %get3A_112] : memref<128x1024xf32, #tpu.memory_space<vmem>>, vector<128x1024xf32>
      %swap3A_114 = arith.constant 0 : index
      %swap3A_115 = arith.constant 0 : index
      %swap3A_116 = vector.load %arg8[%swap3A_114, %swap3A_115] : memref<128x1024xf32, #tpu.memory_space<vmem>>, vector<128x1024xf32>
      tpu.vector_store %arg8[%swap3A_114, %swap3A_115], %get3A_113 {strides = array<i32>} : memref<128x1024xf32, #tpu.memory_space<vmem>>, vector<128x1024xf32>,
    } else {
    }
    %get3A = arith.constant 0 : index
    %get3A_5 = arith.constant 0 : index
    %get3A_6 = vector.load %arg4[%get3A, %get3A_5] : memref<128x1024xf32, #tpu.memory_space<vmem>>, vector<128x1024xf32>
    %get3A_7 = arith.constant 0 : index
    %get3A_8 = arith.constant 0 : index
    %get3A_9 = arith.constant 0 : index
    %get3A_10 = vector.load %arg5[%get3A_7, %get3A_8, %get3A_9] : memref<1x1024x1024xf32, #tpu.memory_space<vmem>>, vector<1x1024x1024xf32>
    %get3A_11 = vector.shape_cast %get3A_10 : vector<1x1024x1024xf32> to vector<1024x1024xf32>
    %dot_general3A = arith.constant dense<0.000000e+00> : vector<128x1024xf32>
    %dot_general3A_12 = tpu.matmul %get3A_6, %get3A_11, %dot_general3A {dimension_numbers = #tpu.dot_dimension_numbers<[1], [1], [0], [0], [0, 0, 1, 0], [], []>, transpose_lhs_hint = false} : vector<128x1024xf32>, vector<1024x1024xf32>, vector<128x1024xf32> -> vector<128x1024xf32>
    %get3A_13 = arith.constant 0 : index
    %get3A_14 = arith.constant 0 : index
    %get3A_15 = arith.constant 0 : index
    %get3A_16 = vector.load %arg6[%get3A_13, %get3A_14, %get3A_15] : memref<1x1024x1024xf32, #tpu.memory_space<vmem>>, vector<1x1024x1024xf32>
    %get3A_17 = vector.shape_cast %get3A_16 : vector<1x1024x1024xf32> to vector<1024x1024xf32>
    %dot_general3A_18 = arith.constant dense<0.000000e+00> : vector<128x1024xf32>
    %dot_general3A_19 = tpu.matmul %get3A_6, %get3A_17, %dot_general3A_18 {dimension_numbers = #tpu.dot_dimension_numbers<[1], [1], [0], [0], [0, 0, 1, 0], [], []>, transpose_lhs_hint = false} : vector<128x1024xf32>, vector<1024x1024xf32>, vector<128x1024xf32> -> vector<128x1024xf32>
    %neg3A = arith.constant 0.000000e+00 : f32
    %neg3A_20 = vector.broadcast %neg3A : f32 to vector<128x1024xf32>
    %neg3A_21 = arith.subf %neg3A_20, %dot_general3A_12 : vector<128x1024xf32>
    %exp3A = math.exp %neg3A_21 : vector<128x1024xf32>
    %add3A_22 = arith.constant 1.000000e+00 : f32
    %add3A_23 = vector.broadcast %add3A_22 : f32 to vector<128x1024xf32>
    %add3A_24 = arith.addf %add3A_23, %exp3A : vector<128x1024xf32>
    %div3A = arith.constant 1.000000e+00 : f32
    %div3A_25 = vector.broadcast %div3A : f32 to vector<128x1024xf32>
    %div3A_26 = arith.divf %div3A_25, %add3A_24 : vector<128x1024xf32>
    %mul3A = arith.mulf %dot_general3A_12, %div3A_26 : vector<128x1024xf32>
    %mul3A_27 = arith.mulf %mul3A, %dot_general3A_19 : vector<128x1024xf32>
    %get3A_28 = arith.constant 0 : index
    %get3A_29 = arith.constant 0 : index
    %get3A_30 = arith.constant 0 : index
    %get3A_31 = vector.load %arg2[%get3A_28, %get3A_29, %get3A_30] : memref<8x16x16xf32, #tpu.memory_space<vmem>>, vector<8x16x16xf32>
    %reshape3A = vector.shape_cast %get3A_31 : vector<8x16x16xf32> to vector<128x16xf32>
    %iota3A = tpu.iota {dimensions = array<i32: 0>} : vector<128x128xi32>
    %iota3A_32 = tpu.iota {dimensions = array<i32: 1>} : vector<128x128xi32>
    %jit3A = arith.constant 16 : i32
    %div3A_33 = vector.broadcast %jit3A : i32 to vector<128x128xi32>
    %div3A_34 = arith.divsi %iota3A, %div3A_33 : vector<128x128xi32>
    %sign3A = arith.constant 0 : i32
    %sign3A_35 = vector.broadcast %sign3A : i32 to vector<128x128xi32>
    %sign3A_36 = arith.cmpi sgt, %iota3A, %sign3A_35 : vector<128x128xi32>
    %sign3A_37 = arith.extui %sign3A_36 : vector<128x128xi1> to vector<128x128xi32>
    %sign3A_38 = arith.constant 0 : i32
    %sign3A_39 = vector.broadcast %sign3A_38 : i32 to vector<128x128xi32>
    %sign3A_40 = arith.cmpi slt, %iota3A, %sign3A_39 : vector<128x128xi32>
    %sign3A_41 = arith.extui %sign3A_40 : vector<128x128xi1> to vector<128x128xi32>
    %sign3A_42 = arith.subi %sign3A_37, %sign3A_41 : vector<128x128xi32>
    %sign3A_43 = arith.constant 0 : i32
    %sign3A_44 = arith.cmpi sgt, %jit3A, %sign3A_43 : i32
    %sign3A_45 = arith.extui %sign3A_44 : i1 to i32
    %sign3A_46 = arith.constant 0 : i32
    %sign3A_47 = arith.cmpi slt, %jit3A, %sign3A_46 : i32
    %sign3A_48 = arith.extui %sign3A_47 : i1 to i32
    %sign3A_49 = arith.subi %sign3A_45, %sign3A_48 : i32
    %ne3A = vector.broadcast %sign3A_49 : i32 to vector<128x128xi32>
    %ne3A_50 = arith.cmpi ne, %sign3A_42, %ne3A : vector<128x128xi32>
    %rem3A = vector.broadcast %jit3A : i32 to vector<128x128xi32>
    %rem3A_51 = arith.remsi %iota3A, %rem3A : vector<128x128xi32>
    %ne3A_52 = arith.constant 0 : i32
    %ne3A_53 = vector.broadcast %ne3A_52 : i32 to vector<128x128xi32>
    %ne3A_54 = arith.cmpi ne, %rem3A_51, %ne3A_53 : vector<128x128xi32>
    %and3A_55 = arith.andi %ne3A_50, %ne3A_54 : vector<128x128xi1>
    %sub3A = arith.constant 1 : i32
    %sub3A_56 = vector.broadcast %sub3A : i32 to vector<128x128xi32>
    %sub3A_57 = arith.subi %div3A_34, %sub3A_56 : vector<128x128xi32>
    %select_n3A = arith.select %and3A_55, %sub3A_57, %div3A_34 : vector<128x128xi1>, vector<128x128xi32>
    %mul3A_58 = arith.constant 16 : i32
    %mul3A_59 = vector.broadcast %mul3A_58 : i32 to vector<128x128xi32>
    %mul3A_60 = arith.muli %select_n3A, %mul3A_59 : vector<128x128xi32>
    %add3A_61 = vector.broadcast %add3A_0 : i32 to vector<128x128xi32>
    %add3A_62 = arith.addi %mul3A_60, %add3A_61 : vector<128x128xi32>
    %eq3A_63 = arith.cmpi eq, %iota3A_32, %add3A_62 : vector<128x128xi32>
    %convert_element_type3A_64 = arith.extui %eq3A_63 : vector<128x128xi1> to vector<128x128xi32>
    %convert_element_type3A_65 = arith.sitofp %convert_element_type3A_64 : vector<128x128xi32> to vector<128x128xf32>
    %dot_general3A_66 = arith.constant dense<0.000000e+00> : vector<128x16xf32>
    %dot_general3A_67 = tpu.matmul %convert_element_type3A_65, %reshape3A, %dot_general3A_66 {dimension_numbers = #tpu.dot_dimension_numbers<[1], [0], [0], [1], [0, 0, 1, 1], [], []>, transpose_lhs_hint = false} : vector<128x128xf32>, vector<128x16xf32>, vector<128x16xf32> -> vector<128x16xf32>
    %iota3A_68 = tpu.iota {dimensions = array<i32: 0>} : vector<128x16xi32>
    %iota3A_69 = tpu.iota {dimensions = array<i32: 1>} : vector<128x16xi32>
    %jit3A_70 = arith.constant 16 : i32
    %eq3A_71 = arith.constant 0 : i32
    %eq3A_72 = arith.cmpi eq, %jit3A_70, %eq3A_71 : i32
    %jit3A_73 = arith.constant 1 : i32
    %select_n3A_74 = arith.select %eq3A_72, %jit3A_73, %jit3A_70 : i32
    %rem3A_75 = vector.broadcast %select_n3A_74 : i32 to vector<128x16xi32>
    %rem3A_76 = arith.remsi %iota3A_68, %rem3A_75 : vector<128x16xi32>
    %ne3A_77 = arith.constant 0 : i32
    %ne3A_78 = vector.broadcast %ne3A_77 : i32 to vector<128x16xi32>
    %ne3A_79 = arith.cmpi ne, %rem3A_76, %ne3A_78 : vector<128x16xi32>
    %lt3A = arith.constant 0 : i32
    %lt3A_80 = vector.broadcast %lt3A : i32 to vector<128x16xi32>
    %lt3A_81 = arith.cmpi slt, %rem3A_76, %lt3A_80 : vector<128x16xi32>
    %lt3A_82 = arith.constant 0 : i32
    %lt3A_83 = arith.cmpi slt, %select_n3A_74, %lt3A_82 : i32
    %ne3A_84 = vector.broadcast %lt3A_83 : i1 to vector<128x16xi1>
    %ne3A_85 = vector.broadcast %ne3A_84 : vector<128x16xi1> to vector<128x16xi1>
    %ne3A_86 = arith.xori %lt3A_81, %ne3A_85 : vector<128x16xi1>
    %and3A_87 = arith.andi %ne3A_86, %ne3A_79 : vector<128x16xi1>
    %add3A_88 = vector.broadcast %select_n3A_74 : i32 to vector<128x16xi32>
    %add3A_89 = arith.addi %rem3A_76, %add3A_88 : vector<128x16xi32>
    %select_n3A_90 = arith.select %and3A_87, %add3A_89, %rem3A_76 : vector<128x16xi1>, vector<128x16xi32>
    %eq3A_91 = arith.cmpi eq, %iota3A_69, %select_n3A_90 : vector<128x16xi32>
    %jit3A_92 = arith.constant 0.000000e+00 : f32
    %broadcast_in_dim3A = vector.broadcast %jit3A_92 : f32 to vector<128x16xf32>
    %select_n3A_93 = arith.select %eq3A_91, %dot_general3A_67, %broadcast_in_dim3A : vector<128x16xi1>, vector<128x16xf32>
    %reduce_sum3A = arith.constant dense<0.000000e+00> : vector<128xf32>
    %reduce_sum3A_94 = vector.multi_reduction <add>, %select_n3A_93, %reduce_sum3A [1] : vector<128x16xf32> to vector<128xf32>
    %broadcast_in_dim3A_95 = vector.shape_cast %reduce_sum3A_94 : vector<128xf32> to vector<128x1xf32>
    %get3A_96 = arith.constant 0 : index
    %get3A_97 = arith.constant 0 : index
    %get3A_98 = vector.load %arg8[%get3A_96, %get3A_97] : memref<128x1024xf32, #tpu.memory_space<vmem>>, vector<128x1024xf32>
    %mul3A_99 = vector.broadcast %broadcast_in_dim3A_95 : vector<128x1xf32> to vector<128x1024xf32>
    %mul3A_100 = arith.mulf %mul3A_27, %mul3A_99 : vector<128x1024xf32>
    %get3A_101 = arith.constant 0 : index
    %get3A_102 = arith.constant 0 : index
    %get3A_103 = arith.constant 0 : index
    %get3A_104 = vector.load %arg7[%get3A_101, %get3A_102, %get3A_103] : memref<1x1024x1024xf32, #tpu.memory_space<vmem>>, vector<1x1024x1024xf32>
    %get3A_105 = vector.shape_cast %get3A_104 : vector<1x1024x1024xf32> to vector<1024x1024xf32>
    %dot_general3A_106 = arith.constant dense<0.000000e+00> : vector<128x1024xf32>
    %dot_general3A_107 = tpu.matmul %mul3A_100, %get3A_105, %dot_general3A_106 {dimension_numbers = #tpu.dot_dimension_numbers<[1], [1], [0], [0], [0, 0, 1, 0], [], []>, transpose_lhs_hint = false} : vector<128x1024xf32>, vector<1024x1024xf32>, vector<128x1024xf32> -> vector<128x1024xf32>
    %add3A_108 = arith.addf %get3A_98, %dot_general3A_107 : vector<128x1024xf32>
    %swap3A = arith.constant 0 : index
    %swap3A_109 = arith.constant 0 : index
    %swap3A_110 = vector.load %arg8[%swap3A, %swap3A_109] : memref<128x1024xf32, #tpu.memory_space<vmem>>, vector<128x1024xf32>
    tpu.vector_store %arg8[%swap3A, %swap3A_109], %add3A_108 {strides = array<i32>} : memref<128x1024xf32, #tpu.memory_space<vmem>>, vector<128x1024xf32>,
    return
  }
  func.func @transform_0(%arg0: i32, %arg1: i32) -> (i32, i32, i32) {
    %c0_i32 = arith.constant 0 : i32
    %c0_i32_0 = arith.constant 0 : i32
    %c0_i32_1 = arith.constant 0 : i32
    %c0_i32_2 = arith.constant 0 : i32
    return %c0_i32, %c0_i32_0, %c0_i32_1 : i32, i32, i32
  }
  func.func @transform_1(%arg0: i32, %arg1: i32) -> (i32, i32) {
    %c0_i32 = arith.constant 0 : i32
    %c0_i32_0 = arith.constant 0 : i32
    %c0_i32_1 = arith.constant 0 : i32
    return %c0_i32, %c0_i32_0 : i32, i32
  }
  func.func @transform_2(%arg0: i32, %arg1: i32) -> (i32, i32) {
    %c0_i32 = arith.constant 0 : i32
    %c0_i32_0 = arith.constant 0 : i32
    %c0_i32_1 = arith.constant 0 : i32
    return %c0_i32, %c0_i32_0 : i32, i32
  }
  func.func @transform_3(%arg0: i32, %arg1: i32) -> (i32, i32, i32) {
    %add3A = arith.constant 1 : i32
    %add3A_0 = arith.addi %arg0, %add3A : i32
    %c0_i32 = arith.constant 0 : i32
    %c0_i32_1 = arith.constant 0 : i32
    return %add3A_0, %arg1, %c0_i32 : i32, i32, i32
  }
  func.func @transform_4(%arg0: i32, %arg1: i32) -> (i32, i32, i32) {
    %add3A = arith.constant 1 : i32
    %add3A_0 = arith.addi %arg0, %add3A : i32
    %add3A_1 = arith.constant 2 : i32
    %add3A_2 = arith.addi %add3A_1, %arg1 : i32
    %c0_i32 = arith.constant 0 : i32
    %c0_i32_3 = arith.constant 0 : i32
    return %add3A_0, %add3A_2, %c0_i32 : i32, i32, i32
  }
  func.func @transform_5(%arg0: i32, %arg1: i32) -> (i32, i32, i32) {
    %add3A = arith.constant 1 : i32
    %add3A_0 = arith.addi %arg0, %add3A : i32
    %c0_i32 = arith.constant 0 : i32
    %c0_i32_1 = arith.constant 0 : i32
    return %add3A_0, %c0_i32, %arg1 : i32, i32, i32
  }
  func.func @transform_6(%arg0: i32, %arg1: i32) -> (i32, i32) {
    %c0_i32 = arith.constant 0 : i32
    %c0_i32_0 = arith.constant 0 : i32
    %c0_i32_1 = arith.constant 0 : i32
    return %c0_i32, %c0_i32_0 : i32, i32
  }
}

</mosaic_0001>

<sc_bundles>
// kernel: kernel.5.cloned.1.call-start
scs
__scs_entry_jumppad:
0x0: {  	(pc) =	sbr.rel $0x88, $3  }
0x1: {  	(tag) =	ssettag $0x0;
	lr =	simm.s32 $0x1  }
0x2: {  	[smem:$0x3F9D] =	sst lr;
	_ =	strace $0xD0000000  }
0x3: {  	_ = 	snop  }
0x4: {  	_ = 	snop  }
0x5: {  	_ = 	snop  }
0x6: {  	_ = 	snop  }
0x7: {  	_ = 	snop  }
__scs_overlays_trampoline_lowered:
0x8: {  	[smem:$0x3FAC] =	sst s0  }
0x9: {  	[smem:$0x3FAD] =	sst s1  }
0xa: {  	[smem:$0x3FAE] =	sst s2  }
0xb: {  	[smem:$0x3FAF] =	sst s3  }
0xc: {  	[smem:$0x3FB0] =	sst s4  }
0xd: {  	[smem:$0x3FB1] =	sst s5  }
0xe: {  	[smem:$0x3FB2] =	sst s6  }
0xf: {  	[smem:$0x3FB3] =	sst s7  }
0x10: {  	[smem:$0x3FB4] =	sst s8  }
0x11: {  	[smem:$0x3FB5] =	sst s9;
	s0 =	simm.s32 @!p0 $0x0  }
0x12: {  	s1 =	sld [smem:$0x3F9B];
	s0 =	simm.s32 @p0 $0x1  }
0x13: {  	[smem:$0x3FB6] =	sst s0;
	s0 =	simm.s32 @!p1 $0x0  }
0x14: {  	s2 =	sld [smem:$0x3F9A];
	s0 =	simm.s32 @p1 $0x1  }
0x15: {  	[smem:$0x3FB7] =	sst s0;
	s0 =	simm.s32 @!p2 $0x0  }
0x16: {  	s3 =	sld [smem:$0x3FDB];
	s0 =	simm.s32 @p2 $0x1  }
0x17: {  	s4 =	simm.s32 $0x1BF5;
	[smem:$0x3FB9] =	sst s0  }
0x18: {  	s0 =	sld [smem:$0x3F9C];
	_ =	swait.ge [sflag:s4], $0x0  }
0x19: {  	s7 =	sld [smem:$0x3F9D]  }
0x1a: {  	s8 =	sadd.s32 $0xFFFFE003, lr  }
0x1b: {  	s9 =	sadd.s32 $0xFFFFFEF7, lr;
	s5 =	simm.s32 $0xFFFFFFFF;
	p2 =	slt.u32 s8, $0xFFFFF086  }
0x1c: {  	p1 =	slt.u32 s9, $0xF7A;
	s5 =	simm.s32 @!p2 $0x0  }
0x1d: {  	s5 =	simm.s32 @p1 $0x1;
	p0 =	seq.s32 s7, s2  }
0x1e: {  	s7 =	smul.u32 @!p0 $0xF7A, s2;
	p2 =	seq.s32 @!p0 s5, $0x0  }
0x1f: {  	s9 =	smul.u32 $0xF7A, s1;
	s8 =	simm.s32 @!p0 $0x1BF5;
	p2 =	por !p2, p0  }
0x20: {  	[sflag:s8] =	ssyncset.s32 @!p0 $0xFFFFF086;
	s6 =	sadd.s32 @!p0 s3, s7;
	s7 =	simm.s32 @!p0 $0x108  }
0x21: {  	s3 =	sadd.s32 s3, s9;
	s6 =	sadd.s32 @!p0 $0x88, s6;
	s7 =	simm.s32 @p2 $0x1082  }
0x22: {  	[simem:s7], [sflag:s8] =	dma.local @!p0 [hbm:s6], $0xF7A  }
0x23: {  	s9 =	sor.u32 $0xD0000000, s2;
	s6 =	simm.s32 $0x108;
	_ =	swait.ge @!p0 [sflag:s8], $0x0  }
0x24: {  	s3 =	sadd.s32 $0x88, s3;
	s6 =	simm.s32 @!p1 $0x1082;
	[sflag:s4] =	ssyncset.s32 $0xFFFFF086  }
0x25: {  	[simem:s6], [sflag:s4] =	dma.local [hbm:s3], $0xF7A  }
0x26: {  	[smem:$0x3F9D] =	sst s1;
	(tag) =	ssettag s2;
	_ =	strace s9  }
0x27: {  	s1 =	sld [smem:$0x3FAD]  }
0x28: {  	s2 =	sld [smem:$0x3FAE]  }
0x29: {  	s4 =	sld [smem:$0x3FB0]  }
0x2a: {  	p0 =	seq.s32 s5, $0x0;
	s5 =	sld [smem:$0x3FB1]  }
0x2b: {  	s6 =	sld [smem:$0x3FB2]  }
0x2c: {  	s7 =	sld [smem:$0x3FB3]  }
0x2d: {  	s3 =	simm.s32 $0x108;
	s8 =	sld [smem:$0x3FB4]  }
0x2e: {  	s3 =	simm.s32 @!p0 $0x1082;
	s9 =	sld [smem:$0x3FB5]  }
0x2f: {  	lr =	sadd.s32 s0, s3;
	s0 =	sld [smem:$0x3FAC]  }
0x30: {  	s3 =	sld [smem:$0x3FAF]  }
0x31: {  	[smem:$0x3FB8] =	sst s10  }
0x32: {  	s10 =	sld [smem:$0x3FB6];
	_ =	sdelay $0x3  }
0x33: {  	p0 =	seq.s32 s10, $0x1;
	s10 =	sld [smem:$0x3FB8];
	_ =	sdelay $0x3  }
0x34: {  	[smem:$0x3FB8] =	sst s10  }
0x35: {  	s10 =	sld [smem:$0x3FB7];
	_ =	sdelay $0x3  }
0x36: {  	p1 =	seq.s32 s10, $0x1;
	s10 =	sld [smem:$0x3FB8];
	_ =	sdelay $0x3  }
0x37: {  	[smem:$0x3FB8] =	sst s10  }
0x38: {  	s10 =	sld [smem:$0x3FB9]  }
0x39: {  	_ = 	snop;
	(pc) =	sbr.ind lr, $3  }
0x3a: {  	_ = 	snop  }
0x3b: {  	_ = 	snop  }
0x3c: {  	p2 =	seq.s32 s10, $0x1;
	s10 =	sld [smem:$0x3FB8]  }
0x3d: {  	_ =	shalt  }
0x3e: {  	_ =	shalt  }
0x3f: {  	_ =	shalt  }
0x40: {  	_ =	shalt  }
0x41: {  	_ =	shalt  }
0x42: {  	_ =	shalt  }
0x43: {  	_ =	shalt  }
0x44: {  	_ =	shalt  }
0x45: {  	_ =	shalt  }
0x46: {  	_ =	shalt  }
0x47: {  	_ =	shalt  }
0x48: {  	_ =	shalt  }
0x49: {  	_ =	shalt  }
0x4a: {  	_ =	shalt  }
0x4b: {  	_ =	shalt  }
0x4c: {  	_ =	shalt  }
0x4d: {  	_ =	shalt  }
0x4e: {  	_ =	shalt  }
0x4f: {  	_ =	shalt  }
0x50: {  	_ =	shalt  }
0x51: {  	_ =	shalt  }
0x52: {  	_ =	shalt  }
0x53: {  	_ =	shalt  }
0x54: {  	_ =	shalt  }
0x55: {  	_ =	shalt  }
0x56: {  	_ =	shalt  }
0x57: {  	_ =	shalt  }
0x58: {  	_ =	shalt  }
0x59: {  	_ =	shalt  }
0x5a: {  	_ =	shalt  }
0x5b: {  	_ =	shalt  }
0x5c: {  	_ =	shalt  }
0x5d: {  	_ =	shalt  }
0x5e: {  	_ =	shalt  }
0x5f: {  	_ =	shalt  }
0x60: {  	_ =	shalt  }
0x61: {  	_ =	shalt  }
0x62: {  	_ =	shalt  }
0x63: {  	_ =	shalt  }
0x64: {  	_ =	shalt  }
0x65: {  	_ =	shalt  }
0x66: {  	_ =	shalt  }
0x67: {  	_ =	shalt  }
0x68: {  	_ =	shalt  }
0x69: {  	_ =	shalt  }
0x6a: {  	_ =	shalt  }
0x6b: {  	_ =	shalt  }
0x6c: {  	_ =	shalt  }
0x6d: {  	_ =	shalt  }
0x6e: {  	_ =	shalt  }
0x6f: {  	_ =	shalt  }
0x70: {  	_ =	shalt  }
0x71: {  	_ =	shalt  }
0x72: {  	_ =	shalt  }
0x73: {  	_ =	shalt  }
0x74: {  	_ =	shalt  }
0x75: {  	_ =	shalt  }
0x76: {  	_ =	shalt  }
0x77: {  	_ =	shalt  }
0x78: {  	_ =	shalt  }
0x79: {  	_ =	shalt  }
0x7a: {  	_ =	shalt  }
0x7b: {  	_ =	shalt  }
0x7c: {  	_ =	shalt  }
0x7d: {  	_ =	shalt  }
0x7e: {  	_ =	shalt  }
0x7f: {  	_ =	shalt  }
0x80: {  	_ =	shalt  }
0x81: {  	_ =	shalt  }
0x82: {  	_ =	shalt  }
0x83: {  	_ =	shalt  }
0x84: {  	_ =	shalt  }
0x85: {  	_ =	shalt  }
0x86: {  	_ =	shalt  }
0x87: {  	_ =	shalt  }
.Lfunc_end0:
.L_simem_size_0:
called_computation_lowered:
.L_overlay_start_0:
0x88: {  	s2 =	sld [smem:$0x3FD9]  }
0x89: {  	s3 =	sld [smem:$0x3FFE];
	_ =	sdelay $0x1  }
0x8a: {  	s1 =	srdreg.scid  }
0x8b: {  	s0 =	sand.u32 $0x1, s1  }
0x8c: {  	s18 =	sshll.u32 s0, $0xA;
	s2 =	sadd.s32 s3, s2  }
0x8d: {  	s2 =	sadd.s32 s2, s18  }
0x8e: {  	[smem:$0x3FC4] =	sst s2  }
0x8f: {  	_ = 	snop  }
0x90: {  	s2 =	sld [smem:$0x3FC8]  }
0x91: {  	s19 =	sld [smem:$0x3FD0];
	(tm) =	ssettm $0x1  }
0x92: {  	s4 =	sld [smem:$0x3FFB];
	_ =	sdelay $0x3  }
0x93: {  	_ =	strace s4  }
0x94: {  	s4 =	sld [smem:$0x3FFC];
	_ =	sdelay $0x3  }
0x95: {  	_ =	strace s4  }
0x96: {  	s4 =	sld [smem:$0x3FFD];
	_ =	sdelay $0x3  }
0x97: {  	_ =	strace s4  }
0x98: {  	_ =	strace $0x8FFFFFFF  }
0x99: {  	s20 =	sld [smem:$0x3FDB];
	_ =	sdelay $0x1  }
0x9a: {  	s5 =	simm.s32 $_scs_section_size  }
0x9b: {  	s6 =	simm.s32 $_size__tile_overlayer_lowered;
	s7 =	simm.s32 $_tile_overlayer_lowered  }
0x9c: {  	s23 =	simm.s32 $0x1BFF;
	s22 =	sshll.u32 s7, $0x1;
	s4 =	sadd.s32 s5, s20  }
0x9d: {  	s8 =	simm.s32 $0x0;
	s21 =	sshll.u32 s6, $0x1;
	s6 =	sadd.s32 s22, s4  }
0x9e: {  	[timem:s8], [sflag:s23] =	dma.local [hbm:s6], s21  }
0x9f: {  	_ =	swait.ge [sflag:s23], s21  }
0xa0: {  	s5 =	ssub.s32 $0x0, s21;
	[sflag:s23] =	ssyncset.done $0x0  }
0xa1: {  	[sflag:s23] =	ssyncadd.s32 s5;
	_ =	sdelay $0x1  }
0xa2: {  	s24 =	simm.s32 $0x1B8B  }
0xa3: {  	_ =	swait.ge [sflag:s24], $0x1  }
0xa4: {  	[sflag:s24] =	ssyncset.done $0x0  }
0xa5: {  	s25 =	simm.s32 $0x1B8E;
	[sflag:s24] =	ssyncadd.s32 $0xFFFFFFFF  }
0xa6: {  	s26 =	simm.s32 $execute0_lowered;
	[smem:$0x3FD2] =	sst s25  }
0xa7: {  	s5 =	sshll.u32 s26, $0x1;
	_ =	strace $0x80000046;
	[dreg:$0x1] =	wrdreg $0xFFFFFFFF  }
0xa8: {  	s28 =	simm.s32 $_size_execute0_lowered;
	s4 =	sadd.s32 s4, s5;
	[dreg:$0x0] =	wrdreg $0x0  }
0xa9: {  	s5 =	sshll.u32 s28, $0x1;
	[dreg:$0x2] =	wrdreg s4  }
0xaa: {  	[dreg:$0x3] =	wrdreg s5  }
0xab: {  	[dreg:$0x4] =	wrdreg $0xC0  }
0xac: {  	_ =	task [dreg:s8], $0x5FFFF  }
0xad: {  	[dreg:$0x1] =	wrdreg $0xFFFFFFFF  }
0xae: {  	[dreg:$0x0] =	wrdreg $0x60  }
0xaf: {  	[dreg:$0x2] =	wrdreg s2  }
0xb0: {  	[dreg:$0x3] =	wrdreg s19  }
0xb1: {  	[dreg:$0x4] =	wrdreg $0x9  }
0xb2: {  	_ =	task.clear_ibuf [dreg:s8], $0x5FFFF;
	_ =	strace $0x90000046  }
0xb3: {  	s29 =	simm.s32 $0x9;
	_ =	strace $0x80000048  }
0xb4: {  	_ =	swait.ge [sflag:s29], $0x1  }
0xb5: {  	[sflag:s29] =	ssyncadd.s32 $0xFFFFFFFF  }
0xb6: {  	_ =	strace $0x90000048  }
0xb7: {  	_ =	sfence  }
0xb8: {  	s30 =	sld [smem:$0x0];
	_ =	sdelay $0x2  }
0xb9: {  	s31 =	sshll.u32 s1, $0xD;
	s1 =	sshrl.u32 s1, $0x2  }
0xba: {  	s3 =	sand.u32 $0x4000, s31;
	s1 =	sadd.s32 s1, s30  }
0xbb: {  	s0 =	sor.u32 s3, s0;
	s1 =	sshll.u32 s1, $0x11  }
0xbc: {  	s0 =	sor.u32 s1, s0  }
0xbd: {  	s0 =	sadd.s32 $0x8F2B, s0  }
0xbe: {  	[sflag:s0] =	ssyncadd.remote.s32 $0x1  }
0xbf: {  	_ =	sfence.sel $0xFFFF  }
0xc0: {  	[dreg:$0x0] =	wrdreg $0xFFFFFFFF;
	(pc) =	sbr.abs _section_cstart, $3  }
0xc1: {  	[dreg:$0x1] =	wrdreg $0xFFFFFFFF  }
0xc2: {  	_ =	task.clear_ibuf [dreg:s8], $0x2FFFF;
	_ =	strace $0x9FFFFFFF  }
0xc3: {  	(tm) =	ssettm $0x7FFFFFFF  }
tec
execute0_lowered:
.L_overlay_start_1:
0x0: {  	(tag) =	ssettag $0x1  }
0x1: {  	s1 =	stileid.u32  }
0x2: {  	p0 =	sgt.u32 s1, $0x3  }
.Ltmp0:
0x3: {  	_ = 	snop;
	(pc) =	sbr.rel @p0 .LBB2_4-.Ltmp0, $4  }
0x4: {  	s4 =	rddreg [dreg:$0x0]  }
0x5: {  	s6 =	rddreg [dreg:$0x1];
	s2 =	simm.s32 $0x0  }
0x6: {  	[smem:$0x7FF] =	sst s2  }
0x7: {  	s0 =	rddreg [dreg:$0x2];
	_ =	strace $0x80000047  }
0x8: {  	s5 =	srdreg.scid;
	s3 =	simm.s32 $0x1  }
0x9: {  	[tilespmem:s2], [sflag:$0x1] =	stream.linear.gather [hbm4b:s4+s2], $0x800, $0x38;
	[tilespmem:$0x1000] =	vst v63  }
0xa: {  	s31 =	sshll.u32 s1, $0x1;
	s8 =	sand.u32 $0x1, s5;
	_ =	swait.ge [sflag:s3], $0x800  }
0xb: {  	s7 =	sor.u32 s8, s31;
	[sflag:s3] =	ssyncset.done $0x0  }
0xc: {  	s5 =	sshll.u32 s7, $0x4;
	[sflag:s3] =	ssyncadd.s32 $0xFFFFF800  }
0xd: {  	v1 =	vld [tilespmem:s5+$0x0]  }
0xe: {  	v2 =	vld [tilespmem:s5+$0x80];
	_ =	sdelay $0x1  }
0xf: {  	v3 =	vld [tilespmem:s5+$0x100];
	_ =	sdelay $0x1  }
0x10: {  	v4 =	vld [tilespmem:s5+$0x180]  }
0x11: {  	vm0 =	vgt.f32 v2, v1  }
0x12: {  	v5 =	vld [tilespmem:s5+$0x200];
	v0 =	vsel vm0, v2, v1  }
0x13: {  	vm1 =	vgt.f32 v3, v0  }
0x14: {  	v6 =	vld [tilespmem:s5+$0x280];
	v0 =	vsel vm1, v3, v0  }
0x15: {  	vm2 =	vgt.f32 v4, v0  }
0x16: {  	v7 =	vld [tilespmem:s5+$0x300];
	v0 =	vsel vm2, v4, v0  }
0x17: {  	vm3 =	vgt.f32 v5, v0  }
0x18: {  	v8 =	vld [tilespmem:s5+$0x380];
	v0 =	vsel vm3, v5, v0  }
0x19: {  	vm4 =	vgt.f32 v6, v0  }
0x1a: {  	v9 =	vld [tilespmem:s5+$0x400];
	v0 =	vsel vm4, v6, v0  }
0x1b: {  	vm5 =	vgt.f32 v7, v0  }
0x1c: {  	v10 =	vld [tilespmem:s5+$0x480];
	v0 =	vsel vm5, v7, v0  }
0x1d: {  	vm6 =	vgt.f32 v8, v0  }
0x1e: {  	v11 =	vld [tilespmem:s5+$0x500];
	v12 =	vsel vm6, v8, v0  }
0x1f: {  	v0 =	vimm.s32 $0x0;
	vm7 =	vgt.f32 v9, v12  }
0x20: {  	v14 =	vld [tilespmem:s5+$0x580];
	v13 =	vsel vm0, $0x1, v0;
	v12 =	vsel vm7, v9, v12  }
0x21: {  	v13 =	vsel vm1, $0x2, v13;
	vm0 =	vgt.f32 v10, v12  }
0x22: {  	v15 =	vld [tilespmem:s5+$0x600];
	v13 =	vsel vm2, $0x3, v13;
	v12 =	vsel vm0, v10, v12  }
0x23: {  	v13 =	vsel vm3, $0x4, v13;
	vm1 =	vgt.f32 v11, v12  }
0x24: {  	v16 =	vld [tilespmem:s5+$0x680];
	v13 =	vsel vm4, $0x5, v13;
	v12 =	vsel vm1, v11, v12  }
0x25: {  	v13 =	vsel vm5, $0x6, v13;
	vm2 =	vgt.f32 v14, v12  }
0x26: {  	v17 =	vld [tilespmem:s5+$0x700];
	v13 =	vsel vm6, $0x7, v13;
	v12 =	vsel vm2, v14, v12  }
0x27: {  	v13 =	vsel vm7, $0x8, v13;
	vm3 =	vgt.f32 v15, v12  }
0x28: {  	v18 =	vld [tilespmem:s5+$0x780];
	v13 =	vsel vm0, $0x9, v13;
	v12 =	vsel vm3, v15, v12  }
0x29: {  	v13 =	vsel vm1, $0xA, v13;
	vm0 =	vgt.f32 v16, v12  }
0x2a: {  	v13 =	vsel vm2, $0xB, v13;
	v12 =	vsel vm0, v16, v12  }
0x2b: {  	v13 =	vsel vm3, $0xC, v13;
	vm1 =	vgt.f32 v17, v12  }
0x2c: {  	v13 =	vsel vm0, $0xD, v13;
	v12 =	vsel vm1, v17, v12  }
0x2d: {  	v13 =	vsel vm1, $0xE, v13;
	vm0 =	vgt.f32 v18, v12  }
0x2e: {  	v19 =	vimm.s32 $0x0;
	v13 =	vsel vm0, $0xF, v13  }
0x2f: {  	v19 =	vsel vm0, $0xFFFFFFFF, v19;
	vm6 =	veq.s32 v13, $0x0;
	vm0 =	veq.s32 v13, $0x1  }
0x30: {  	v61 =	vimm.s32 $0x0;
	v1 =	vsel vm6, $0xFF800000, v1;
	v2 =	vsel vm0, $0xFF800000, v2  }
0x31: {  	[tilespmem:$0x1FF50] =	vst v19;
	v19 =	vsel vm0, $0xFFFFFFFF, v61;
	vm1 =	vgt.f32 v2, v1  }
0x32: {  	vm0 =	veq.s32 v13, $0x2;
	v1 =	vsel vm1, v2, v1;
	v2 =	vimm.s32 $0x0  }
0x33: {  	v2 =	vsel vm0, $0xFFFFFFFF, v2  }
0x34: {  	[tilespmem:$0x1FEF0] =	vst v2;
	v2 =	vsel vm0, $0xFF800000, v3;
	vm0 =	veq.s32 v13, $0x3;
	v3 =	vimm.s32 $0x0  }
0x35: {  	v62 =	vimm.s32 $0x0;
	[tilespmem:$0x1FFF0] =	vst v19;
	v3 =	vsel vm0, $0xFFFFFFFF, v3  }
0x36: {  	v19 =	vsel vm1, $0xFFFFFFFF, v62;
	vm1 =	vgt.f32 v2, v1;
	[tilespmem:$0x1FF90] =	vst v3;
	v3 =	vimm.s32 $0x0  }
0x37: {  	v1 =	vsel vm1, v2, v1;
	v3 =	vsel vm1, $0xFFFFFFFF, v3  }
0x38: {  	v2 =	vimm.s32 $0x0;
	[tilespmem:$0x1FF70] =	vst v3;
	v3 =	vsel vm0, $0xFF800000, v4;
	vm0 =	veq.s32 v13, $0x4  }
0x39: {  	v2 =	vsel vm0, $0xFFFFFFFF, v2  }
0x3a: {  	vm1 =	vgt.f32 v3, v1;
	[tilespmem:$0x1FFA0] =	vst v2;
	v2 =	vimm.s32 $0x0  }
0x3b: {  	v1 =	vsel vm1, v3, v1;
	v2 =	vsel vm1, $0xFFFFFFFF, v2  }
0x3c: {  	v3 =	vimm.s32 $0x0;
	[tilespmem:$0x1FF80] =	vst v2;
	v2 =	vsel vm0, $0xFF800000, v5;
	vm0 =	veq.s32 v13, $0x5  }
0x3d: {  	v3 =	vsel vm0, $0xFFFFFFFF, v3  }
0x3e: {  	vm12 =	vgt.f32 v2, v1;
	[tilespmem:$0x1FF00] =	vst v3;
	v3 =	vsel vm0, $0xFF800000, v6  }
0x3f: {  	v1 =	vsel vm12, v2, v1;
	vm0 =	veq.s32 v13, $0x6;
	v2 =	vimm.s32 $0x0  }
0x40: {  	v2 =	vsel vm0, $0xFFFFFFFF, v2;
	vm14 =	vgt.f32 v3, v1  }
0x41: {  	[tilespmem:$0x1FFD0] =	vst v2;
	v1 =	vsel vm14, v3, v1;
	v2 =	vsel vm0, $0xFF800000, v7  }
0x42: {  	vm15 =	vgt.f32 v2, v1  }
0x43: {  	vm0 =	veq.s32 v13, $0x7;
	v1 =	vsel vm15, v2, v1;
	v2 =	vimm.s32 $0x0  }
0x44: {  	v2 =	vsel vm0, $0xFFFFFFFF, v2  }
0x45: {  	v3 =	vimm.s32 $0x0;
	[tilespmem:$0x1FF10] =	vst v2;
	v2 =	vsel vm0, $0xFF800000, v8;
	vm0 =	veq.s32 v13, $0x8  }
0x46: {  	v3 =	vsel vm0, $0xFFFFFFFF, v3;
	vm11 =	vgt.f32 v2, v1  }
0x47: {  	[tilespmem:$0x1FFB0] =	vst v3;
	v3 =	vsel vm0, $0xFF800000, v9;
	v1 =	vsel vm11, v2, v1  }
0x48: {  	vm0 =	veq.s32 v13, $0x9;
	v2 =	vimm.s32 $0x0;
	vm9 =	vgt.f32 v3, v1  }
0x49: {  	v2 =	vsel vm0, $0xFFFFFFFF, v2;
	v1 =	vsel vm9, v3, v1  }
0x4a: {  	[tilespmem:$0x1FF20] =	vst v2;
	v2 =	vsel vm0, $0xFF800000, v10;
	vm0 =	veq.s32 v13, $0xA;
	v3 =	vimm.s32 $0x0  }
0x4b: {  	v3 =	vsel vm0, $0xFFFFFFFF, v3  }
0x4c: {  	vm8 =	vgt.f32 v2, v1;
	[tilespmem:$0x1FF30] =	vst v3;
	v3 =	vsel vm0, $0xFF800000, v11  }
0x4d: {  	v1 =	vsel vm8, v2, v1;
	vm0 =	veq.s32 v13, $0xB;
	v2 =	vimm.s32 $0x0  }
0x4e: {  	vm7 =	vgt.f32 v3, v1;
	v2 =	vsel vm0, $0xFFFFFFFF, v2  }
0x4f: {  	[tilespmem:$0x1FFC0] =	vst v2;
	v1 =	vsel vm7, v3, v1;
	v2 =	vsel vm0, $0xFF800000, v14  }
0x50: {  	vm5 =	vgt.f32 v2, v1  }
0x51: {  	vm0 =	veq.s32 v13, $0xC;
	v1 =	vsel vm5, v2, v1;
	v2 =	vimm.s32 $0x0  }
0x52: {  	v2 =	vsel vm0, $0xFFFFFFFF, v2  }
0x53: {  	v3 =	vimm.s32 $0x0;
	[tilespmem:$0x1FF40] =	vst v2;
	v2 =	vsel vm0, $0xFF800000, v15;
	vm0 =	veq.s32 v13, $0xF  }
0x54: {  	vm10 =	veq.s32 v13, $0xD;
	vm3 =	vgt.f32 v2, v1;
	v3 =	vsel vm0, $0xFFFFFFFF, v3  }
0x55: {  	v1 =	vsel vm3, v2, v1;
	v2 =	vsel vm10, $0xFF800000, v16;
	[tilespmem:$0x1FFE0] =	vst v3;
	v3 =	vld [tilespmem:$0x1FF50]  }
0x56: {  	vm4 =	veq.s32 v13, $0xE;
	vm2 =	vgt.f32 v2, v1  }
0x57: {  	v1 =	vsel vm2, v2, v1;
	v2 =	vsel vm4, $0xFF800000, v17  }
0x58: {  	vm1 =	vgt.f32 v2, v1  }
0x59: {  	v1 =	vsel vm1, v2, v1;
	v2 =	vsel vm0, $0xFF800000, v18  }
0x5a: {  	vm0 =	vgt.f32 v2, v1;
	vm13 =	vnez.u8 v3  }
0x5b: {  	v3 =	vsel vm13, v18, v12;
	v1 =	vsel vm0, v2, v1  }
0x5c: {  	v1 =	vsub.f32 v1, v3;
	_ =	sdelay $0x1  }
0x5d: {  	v1 =	vmul.f32 $1.442695020e+00, v1  }
0x5e: {  	[tilespmem:$0x1FF60] =	vst v19  }
0x5f: {  	(erf) = vpow2.f32 v1;
	v1 =	vld [tilespmem:$0x1FF60]  }
0x60: {  	v2 =	vld [tilespmem:$0x1FF70]  }
0x61: {  	v3 =	vld [tilespmem:$0x1FF80];
	_ =	sdelay $0x2  }
0x62: {  	vm13 =	vnez.u8 v1  }
0x63: {  	v1 =	vsel vm13, $0x1, v0;
	vm13 =	vnez.u8 v2  }
0x64: {  	v1 =	vsel vm13, $0x2, v1;
	vm13 =	vnez.u8 v3  }
0x65: {  	v1 =	vsel vm13, $0x3, v1  }
0x66: {  	v1 =	vsel vm12, $0x4, v1  }
0x67: {  	v1 =	vsel vm14, $0x5, v1  }
0x68: {  	v1 =	vsel vm15, $0x6, v1  }
0x69: {  	v1 =	vsel vm11, $0x7, v1  }
0x6a: {  	v1 =	vsel vm9, $0x8, v1  }
0x6b: {  	v1 =	vsel vm8, $0x9, v1  }
0x6c: {  	v1 =	vsel vm7, $0xA, v1  }
0x6d: {  	v2 =	vpop (erf);
	v1 =	vsel vm5, $0xB, v1  }
0x6e: {  	v2 =	vadd.f32 $1.000000000e+00, v2;
	v1 =	vsel vm3, $0xC, v1  }
0x6f: {  	v1 =	vsel vm2, $0xD, v1  }
0x70: {  	(erf) = vrcp.f32 v2;
	v2 =	vsel vm1, $0xE, v1  }
0x71: {  	v16 =	vsel vm0, $0xF, v2;
	v2 =	vld [tilespmem:$0x1FF90];
	_ =	sdelay $0x4  }
0x72: {  	vm0 =	vnez.u8 v2;
	v2 =	vld [tilespmem:$0x1FFA0];
	_ =	sdelay $0x1  }
0x73: {  	v6 =	vld [tilespmem:$0x1FFC0]  }
0x74: {  	v4 =	vld [tilespmem:$0x1FFB0]  }
0x75: {  	v1 =	vpop (erf)  }
0x76: {  	v14 =	vnsel vm0, $0x0, v1;
	vm0 =	vnez.u8 v2;
	v2 =	vsub.f32 $1.000000000e+00, v1  }
0x77: {  	vm2 =	veq.s32 v16, $0x9  }
0x78: {  	v12 =	vnsel vm2, $0x0, v2;
	vm2 =	vnez.u8 v6;
	v6 =	vld [tilespmem:$0x1FFD0]  }
0x79: {  	v9 =	vnsel vm0, $0x0, v1;
	vm0 =	vnez.u8 v4  }
0x7a: {  	v11 =	vnsel vm0, $0x0, v1;
	vm0 =	veq.s32 v16, $0x2  }
0x7b: {  	s8 =	ssub.s32 $0x2, s8;
	vm9 =	veq.s32 v16, $0xE;
	v7 =	vnsel vm0, $0x0, v2;
	vm0 =	veq.s32 v16, $0xD  }
0x7c: {  	s9 =	sshrl.u32 s8, $0x1;
	vm8 =	veq.s32 v16, $0x1;
	v5 =	vnsel vm0, $0x0, v2;
	vm0 =	veq.s32 v16, $0xF  }
0x7d: {  	s8 =	ssub.s32 s8, s9;
	vm1 =	veq.s32 v16, $0x3;
	v17 =	vnsel vm0, $0x0, v2;
	vm0 =	vnez.u8 v6;
	v6 =	vld [tilespmem:$0x1FFE0]  }
0x7e: {  	s8 =	smax.u32 s8, $0x1;
	v10 =	vld [tilespmem:$0x1FFF0];
	vm7 =	veq.s32 v16, $0x5;
	vm13 =	veq.s32 v16, $0x4;
	vm5 =	veq.s32 v16, $0x8  }
0x7f: {  	p0 =	sne.s32 s8, $0x1;
	v3 =	vnsel vm4, $0x0, v1;
	vm4 =	veq.s32 v16, $0xA;
	v4 =	vnsel vm10, $0x0, v1  }
.Ltmp1:
0x80: {  	vm10 =	veq.s32 v16, $0x6;
	v15 =	vnsel vm1, $0x0, v2;
	vm1 =	veq.s32 v16, $0xB;
	(pc) =	sbr.rel @!p0 .LBB2_3-.Ltmp1, $4  }
0x81: {  	v8 =	vnsel vm2, $0x0, v1;
	vm2 =	veq.s32 v16, $0x7;
	v15 =	vadd.f32 v15, v14  }
0x82: {  	v13 =	vnsel vm0, $0x0, v1;
	vm0 =	veq.s32 v16, $0x0;
	vm3 =	vnez.u8 v6  }
0x83: {  	s7 =	sshll.u32 s7, $0x8;
	v6 =	vnsel vm0, $0x0, v2;
	vm0 =	vnez.u8 v10;
	v63 =	vnsel vm3, $0x0, v1  }
0x84: {  	s6 =	sadd.s32 s6, s7;
	s7 =	simm.s32 $0x800;
	s8 =	sadd.s32 $0xFFFFFFFF, s8;
	vm3 =	veq.s32 v16, $0xC;
	v10 =	vnsel vm0, $0x0, v1;
	v14 =	vadd.f32 v17, v63  }
.LBB2_2:
0x85: {  	v16 =	vld [tilespmem:$0x1FEF0]  }
0x86: {  	v17 =	vnsel vm5, $0x0, v2;
	v18 =	vld [tilespmem:$0x1FF00]  }
0x87: {  	v11 =	vadd.f32 v17, v11;
	v17 =	vld [tilespmem:$0x1FF20];
	_ =	sdelay $0x2  }
0x88: {  	vm0 =	vnez.u8 v16  }
0x89: {  	[tilespmem:$0x980] =	vst v15;
	v15 =	vnsel vm13, $0x0, v2;
	v16 =	vnsel vm0, $0x0, v1;
	vm0 =	vnez.u8 v18  }
0x8a: {  	v4 =	vadd.f32 v5, v4;
	v18 =	vnsel vm0, $0x0, v1;
	vm0 =	vnez.u8 v17  }
0x8b: {  	[tilespmem:$0xF80] =	vst v14;
	v14 =	vnsel vm10, $0x0, v2;
	v9 =	vadd.f32 v15, v9;
	v17 =	vnsel vm0, $0x0, v1  }
0x8c: {  	v13 =	vadd.f32 v14, v13;
	v14 =	vld [tilespmem:$0x1FF10];
	[tilespmem:$0xE80] =	vst v4;
	v12 =	vadd.f32 v12, v17  }
0x8d: {  	[tilespmem:$0xA00] =	vst v9  }
0x8e: {  	v57 =	vnsel vm8, $0x0, v2;
	[tilespmem:$0xC80] =	vst v12;
	v12 =	vld [tilespmem:$0x1FF40]  }
0x8f: {  	v5 =	vadd.f32 v57, v10;
	v9 =	vld [tilespmem:$0x1FF30];
	[tilespmem:$0xB00] =	vst v13;
	v13 =	vnsel vm1, $0x0, v2  }
0x90: {  	v19 =	vnsel vm2, $0x0, v2;
	v15 =	vnsel vm7, $0x0, v2;
	[tilespmem:$0xC00] =	vst v11;
	v8 =	vadd.f32 v13, v8  }
0x91: {  	v11 =	vnsel vm3, $0x0, v2;
	[tilespmem:$0x880] =	vst v5;
	v7 =	vadd.f32 v7, v16;
	vm0 =	vnez.u8 v14  }
0x92: {  	[tilespmem:$0xD80] =	vst v8;
	v15 =	vadd.f32 v15, v18;
	v17 =	vnsel vm4, $0x0, v2;
	v2 =	vnsel vm9, $0x0, v2  }
0x93: {  	v14 =	vnsel vm0, $0x0, v1;
	[tilespmem:$0x900] =	vst v7;
	v2 =	vadd.f32 v2, v3;
	vm0 =	vnez.u8 v12  }
0x94: {  	v14 =	vadd.f32 v19, v14;
	[tilespmem:$0xA80] =	vst v15;
	v12 =	vnsel vm0, $0x0, v1;
	vm0 =	vnez.u8 v9  }
0x95: {  	[tilespmem:$0xF00] =	vst v2;
	v9 =	vnsel vm0, $0x0, v1;
	v7 =	vadd.f32 v11, v12  }
0x96: {  	[tilespmem:$0xB80] =	vst v14;
	v1 =	vnsel vm6, $0x0, v1;
	v9 =	vadd.f32 v17, v9  }
0x97: {  	v1 =	vadd.f32 v6, v1;
	[tilespmem:$0xE00] =	vst v7  }
0x98: {  	[tilespmem:$0xD00] =	vst v9  }
0x99: {  	[tilespmem:$0x800] =	vst v1  }
0x9a: {  	[hbm4b:s6+s2] =	stream.linear.scatter [tilespmem:s7], [sflag:$0x1], $0x800, $0x38;
	[tilespmem:$0x1000] =	vst v63  }
0x9b: {  	_ =	swait.ge [sflag:s3], $0x800  }
0x9c: {  	[sflag:s3] =	ssyncset.done $0x0  }
0x9d: {  	[sflag:s3] =	ssyncadd.s32 $0xFFFFF800  }
0x9e: {  	[tilespmem:s2], [sflag:$0x1] =	stream.linear.gather [hbm4b:s4+s2], $0x800, $0x38;
	[tilespmem:$0x1000] =	vst v63  }
0x9f: {  	_ =	swait.ge [sflag:s3], $0x800  }
0xa0: {  	[sflag:s3] =	ssyncset.done $0x0  }
0xa1: {  	[sflag:s3] =	ssyncadd.s32 $0xFFFFF800  }
0xa2: {  	v1 =	vld [tilespmem:s5+$0x0]  }
0xa3: {  	v2 =	vld [tilespmem:s5+$0x80];
	_ =	sdelay $0x1  }
0xa4: {  	v3 =	vld [tilespmem:s5+$0x100];
	_ =	sdelay $0x1  }
0xa5: {  	v4 =	vld [tilespmem:s5+$0x180]  }
0xa6: {  	vm0 =	vgt.f32 v2, v1  }
0xa7: {  	v5 =	vld [tilespmem:s5+$0x200];
	v6 =	vsel vm0, v2, v1  }
0xa8: {  	v8 =	vsel vm0, $0x1, v0;
	vm0 =	vgt.f32 v3, v6  }
0xa9: {  	v7 =	vld [tilespmem:s5+$0x280];
	v6 =	vsel vm0, v3, v6  }
0xaa: {  	v8 =	vsel vm0, $0x2, v8;
	vm0 =	vgt.f32 v4, v6  }
0xab: {  	v9 =	vld [tilespmem:s5+$0x300];
	v6 =	vsel vm0, v4, v6  }
0xac: {  	v8 =	vsel vm0, $0x3, v8;
	vm0 =	vgt.f32 v5, v6  }
0xad: {  	v10 =	vld [tilespmem:s5+$0x380];
	v6 =	vsel vm0, v5, v6  }
0xae: {  	v8 =	vsel vm0, $0x4, v8;
	vm0 =	vgt.f32 v7, v6  }
0xaf: {  	v11 =	vld [tilespmem:s5+$0x400];
	v6 =	vsel vm0, v7, v6  }
0xb0: {  	v8 =	vsel vm0, $0x5, v8;
	vm0 =	vgt.f32 v9, v6  }
0xb1: {  	v12 =	vld [tilespmem:s5+$0x480];
	v6 =	vsel vm0, v9, v6  }
0xb2: {  	vm1 =	vgt.f32 v10, v6  }
0xb3: {  	v13 =	vld [tilespmem:s5+$0x500];
	v6 =	vsel vm1, v10, v6  }
0xb4: {  	v8 =	vsel vm0, $0x6, v8;
	vm0 =	vgt.f32 v11, v6  }
0xb5: {  	v14 =	vld [tilespmem:s5+$0x580];
	v8 =	vsel vm1, $0x7, v8;
	v6 =	vsel vm0, v11, v6  }
0xb6: {  	v8 =	vsel vm0, $0x8, v8;
	vm0 =	vgt.f32 v12, v6  }
0xb7: {  	v15 =	vld [tilespmem:s5+$0x600];
	v6 =	vsel vm0, v12, v6  }
0xb8: {  	v8 =	vsel vm0, $0x9, v8;
	vm0 =	vgt.f32 v13, v6  }
0xb9: {  	v16 =	vld [tilespmem:s5+$0x680];
	v6 =	vsel vm0, v13, v6  }
0xba: {  	v8 =	vsel vm0, $0xA, v8;
	vm0 =	vgt.f32 v14, v6  }
0xbb: {  	v17 =	vld [tilespmem:s5+$0x700];
	v6 =	vsel vm0, v14, v6  }
0xbc: {  	v8 =	vsel vm0, $0xB, v8;
	vm0 =	vgt.f32 v15, v6  }
0xbd: {  	v58 =	vld [tilespmem:s5+$0x780];
	v6 =	vsel vm0, v15, v6  }
0xbe: {  	v8 =	vsel vm0, $0xC, v8;
	vm0 =	vgt.f32 v16, v6  }
0xbf: {  	v6 =	vsel vm0, v16, v6  }
0xc0: {  	vm1 =	vgt.f32 v17, v6  }
0xc1: {  	v8 =	vsel vm0, $0xD, v8;
	v6 =	vsel vm1, v17, v6  }
0xc2: {  	v8 =	vsel vm1, $0xE, v8;
	vm0 =	vgt.f32 v58, v6  }
0xc3: {  	v59 =	vimm.s32 $0x0;
	v60 =	vimm.s32 $0x0;
	v8 =	vsel vm0, $0xF, v8  }
0xc4: {  	v61 =	vimm.s32 $0x0;
	v62 =	vimm.s32 $0x0;
	vm1 =	veq.s32 v8, $0x0  }
0xc5: {  	v63 =	vimm.s32 $0x0;
	vm4 =	veq.s32 v8, $0x3;
	v19 =	vsel vm1, $0xFFFFFFFF, v59  }
0xc6: {  	v6 =	vsel vm0, v58, v6;
	vm2 =	veq.s32 v8, $0x1;
	[tilespmem:$0x1FED0] =	vst v19;
	v19 =	vsel vm4, $0xFFFFFFFF, v60  }
0xc7: {  	vm0 =	veq.s32 v8, $0xA;
	vm3 =	veq.s32 v8, $0x6;
	[tilespmem:$0x1FE40] =	vst v19;
	v19 =	vsel vm2, $0xFFFFFFFF, v61  }
0xc8: {  	v1 =	vsel vm1, $0xFF800000, v1;
	v2 =	vsel vm2, $0xFF800000, v2;
	[tilespmem:$0x1FEE0] =	vst v19;
	v19 =	vsel vm3, $0xFFFFFFFF, v62  }
0xc9: {  	v13 =	vsel vm0, $0xFF800000, v13;
	[tilespmem:$0x1FEA0] =	vst v19;
	v19 =	vsel vm0, $0xFFFFFFFF, v63;
	vm0 =	vgt.f32 v2, v1  }
0xca: {  	vm1 =	veq.s32 v8, $0x2;
	v1 =	vsel vm0, v2, v1;
	v2 =	vimm.s32 $0x0  }
0xcb: {  	v2 =	vsel vm1, $0xFFFFFFFF, v2  }
0xcc: {  	[tilespmem:$0x1FEF0] =	vst v2;
	v2 =	vsel vm1, $0xFF800000, v3  }
0xcd: {  	v3 =	vsel vm4, $0xFF800000, v4;
	vm1 =	vgt.f32 v2, v1  }
0xce: {  	vm4 =	veq.s32 v8, $0x4;
	v1 =	vsel vm1, v2, v1;
	v2 =	vimm.s32 $0x0  }
0xcf: {  	v4 =	vsel vm0, $0x1, v0;
	v2 =	vsel vm4, $0xFFFFFFFF, v2  }
0xd0: {  	vm0 =	vgt.f32 v3, v1;
	[tilespmem:$0x1FE60] =	vst v2;
	v2 =	vsel vm1, $0x2, v4;
	v4 =	vsel vm4, $0xFF800000, v5  }
0xd1: {  	v1 =	vsel vm0, v3, v1;
	vm1 =	veq.s32 v8, $0x5;
	v3 =	vimm.s32 $0x0  }
0xd2: {  	v2 =	vsel vm0, $0x3, v2;
	vm0 =	vgt.f32 v4, v1;
	v3 =	vsel vm1, $0xFFFFFFFF, v3  }
0xd3: {  	[tilespmem:$0x1FF00] =	vst v3;
	v3 =	vsel vm1, $0xFF800000, v7;
	v1 =	vsel vm0, v4, v1  }
0xd4: {  	v2 =	vsel vm0, $0x4, v2;
	vm0 =	vgt.f32 v3, v1  }
0xd5: {  	v1 =	vsel vm0, v3, v1;
	v3 =	vsel vm3, $0xFF800000, v9  }
0xd6: {  	vm2 =	veq.s32 v8, $0x7;
	vm1 =	vgt.f32 v3, v1  }
0xd7: {  	v4 =	vimm.s32 $0x0;
	v1 =	vsel vm1, v3, v1;
	v3 =	vimm.s32 $0x0  }
0xd8: {  	v2 =	vsel vm0, $0x5, v2;
	vm0 =	veq.s32 v8, $0x8;
	v3 =	vsel vm2, $0xFFFFFFFF, v3  }
0xd9: {  	v4 =	vsel vm0, $0xFFFFFFFF, v4;
	[tilespmem:$0x1FF10] =	vst v3;
	v3 =	vsel vm2, $0xFF800000, v10  }
0xda: {  	[tilespmem:$0x1FE70] =	vst v4;
	v2 =	vsel vm1, $0x6, v2;
	v4 =	vsel vm0, $0xFF800000, v11;
	vm1 =	vgt.f32 v3, v1  }
0xdb: {  	vm0 =	veq.s32 v8, $0x9;
	v1 =	vsel vm1, v3, v1;
	v3 =	vimm.s32 $0x0  }
0xdc: {  	v2 =	vsel vm1, $0x7, v2;
	vm1 =	vgt.f32 v4, v1;
	v3 =	vsel vm0, $0xFFFFFFFF, v3  }
0xdd: {  	v1 =	vsel vm1, v4, v1;
	[tilespmem:$0x1FF20] =	vst v3;
	v3 =	vsel vm0, $0xFF800000, v12  }
0xde: {  	v2 =	vsel vm1, $0x8, v2;
	vm1 =	vgt.f32 v3, v1  }
0xdf: {  	vm0 =	veq.s32 v8, $0xB;
	v1 =	vsel vm1, v3, v1;
	v3 =	vimm.s32 $0x0  }
0xe0: {  	vm2 =	vgt.f32 v13, v1;
	v3 =	vsel vm0, $0xFFFFFFFF, v3  }
0xe1: {  	v2 =	vsel vm1, $0x9, v2;
	[tilespmem:$0x1FE90] =	vst v3;
	v1 =	vsel vm2, v13, v1;
	v3 =	vsel vm0, $0xFF800000, v14  }
0xe2: {  	v2 =	vsel vm2, $0xA, v2;
	vm2 =	vgt.f32 v3, v1  }
0xe3: {  	vm0 =	veq.s32 v8, $0xC;
	v1 =	vsel vm2, v3, v1;
	v3 =	vimm.s32 $0x0  }
0xe4: {  	v3 =	vsel vm0, $0xFFFFFFFF, v3  }
0xe5: {  	v4 =	vimm.s32 $0x0;
	[tilespmem:$0x1FF40] =	vst v3;
	v3 =	vsel vm0, $0xFF800000, v15  }
0xe6: {  	v2 =	vsel vm2, $0xB, v2;
	vm0 =	veq.s32 v8, $0xD;
	vm3 =	vgt.f32 v3, v1  }
0xe7: {  	v4 =	vsel vm0, $0xFFFFFFFF, v4;
	v1 =	vsel vm3, v3, v1;
	v3 =	vsel vm0, $0xFF800000, v16  }
0xe8: {  	[tilespmem:$0x1FE80] =	vst v4;
	vm0 =	veq.s32 v8, $0xE;
	v4 =	vimm.s32 $0x0;
	vm5 =	vgt.f32 v3, v1  }
0xe9: {  	v2 =	vsel vm3, $0xC, v2;
	v1 =	vsel vm5, v3, v1;
	v3 =	vsel vm0, $0xFF800000, v17  }
0xea: {  	v4 =	vsel vm0, $0xFFFFFFFF, v4;
	vm0 =	veq.s32 v8, $0xF;
	vm2 =	vgt.f32 v3, v1  }
0xeb: {  	v2 =	vsel vm5, $0xD, v2;
	v1 =	vsel vm2, v3, v1;
	v3 =	vsel vm0, $0xFF800000, v58  }
0xec: {  	v2 =	vsel vm2, $0xE, v2;
	vm2 =	vgt.f32 v3, v1  }
0xed: {  	v1 =	vsel vm2, v3, v1  }
0xee: {  	v1 =	vsub.f32 v1, v6;
	_ =	sdelay $0x1  }
0xef: {  	v1 =	vmul.f32 $1.442695020e+00, v1;
	_ =	sdelay $0x1  }
0xf0: {  	(erf) = vpow2.f32 v1;
	_ =	sdelay $0x8  }
0xf1: {  	v1 =	vpop (erf)  }
0xf2: {  	v1 =	vadd.f32 $1.000000000e+00, v1;
	_ =	sdelay $0x1  }
0xf3: {  	(erf) = vrcp.f32 v1;
	_ =	sdelay $0x2  }
0xf4: {  	[tilespmem:$0x1FE50] =	vst v4;
	v4 =	vimm.s32 $0x0;
	v2 =	vsel vm2, $0xF, v2  }
0xf5: {  	v4 =	vsel vm0, $0xFFFFFFFF, v4;
	vm0 =	veq.s32 v2, $0xE  }
0xf6: {  	vm8 =	veq.s32 v2, $0x1;
	vm4 =	veq.s32 v2, $0xA;
	v1 =	vimm.s32 $0x0  }
0xf7: {  	v3 =	vld [tilespmem:$0x1FE40];
	vm15 =	veq.s32 v2, $0xB;
	vm7 =	veq.s32 v2, $0x5;
	v1 =	vsel vm0, $0xFFFFFFFF, v1  }
0xf8: {  	vm2 =	veq.s32 v2, $0x7;
	vm3 =	veq.s32 v2, $0xC;
	vm13 =	veq.s32 v2, $0x4  }
0xf9: {  	vm10 =	veq.s32 v2, $0x6;
	vm5 =	veq.s32 v2, $0x8;
	vm6 =	veq.s32 v2, $0x0  }
0xfa: {  	vm9 =	veq.s32 v2, $0x9;
	vm11 =	veq.s32 v2, $0x2;
	vm12 =	veq.s32 v2, $0x3;
	[tilespmem:$0x1FEC0] =	vst v1;
	v1 =	vpop (erf)  }
0xfb: {  	vm14 =	veq.s32 v2, $0xD;
	vm0 =	veq.s32 v2, $0xF;
	v2 =	vsub.f32 $1.000000000e+00, v1  }
0xfc: {  	vm1 =	vnez.u8 v3  }
0xfd: {  	v6 =	vnsel vm1, $0x0, v1;
	v10 =	vnsel vm12, $0x0, v2  }
0xfe: {  	v15 =	vadd.f32 v10, v6;
	v6 =	vld [tilespmem:$0x1FEA0];
	_ =	sdelay $0x1  }
0xff: {  	v3 =	vld [tilespmem:$0x1FE50]  }
0x100: {  	[tilespmem:$0x1FEB0] =	vst v4;
	v4 =	vld [tilespmem:$0x1FE60];
	_ =	sdelay $0x1  }
0x101: {  	v14 =	vnsel vm0, $0x0, v2;
	vm0 =	vnez.u8 v6;
	v6 =	vld [tilespmem:$0x1FEB0];
	_ =	sdelay $0x1  }
0x102: {  	v8 =	vld [tilespmem:$0x1FE90];
	vm1 =	vnez.u8 v3  }
0x103: {  	v3 =	vnsel vm1, $0x0, v1;
	vm1 =	vnez.u8 v4;
	v4 =	vld [tilespmem:$0x1FE70]  }
0x104: {  	v10 =	vld [tilespmem:$0x1FED0]  }
0x105: {  	v13 =	vnsel vm0, $0x0, v1;
	vm0 =	vnez.u8 v6;
	v6 =	vld [tilespmem:$0x1FEC0];
	_ =	sdelay $0x2  }
0x106: {  	v9 =	vnsel vm1, $0x0, v1;
	v12 =	vnsel vm9, $0x0, v2;
	vm9 =	vnez.u8 v8  }
0x107: {  	vm1 =	vmmov vm15;
	v8 =	vnsel vm9, $0x0, v1;
	vm15 =	vnez.u8 v4;
	v4 =	vld [tilespmem:$0x1FE80]  }
0x108: {  	vm9 =	vnez.u8 v6;
	v6 =	vnsel vm6, $0x0, v2;
	vm6 =	vnez.u8 v10;
	v10 =	vld [tilespmem:$0x1FEE0]  }
0x109: {  	p0 =	sne.s32 s8, $0x1  }
.Ltmp2:
0x10a: {  	_ = 	snop;
	(pc) =	sbr.rel @p0 .LBB2_2-.Ltmp2, $4  }
0x10b: {  	_ = 	snop  }
0x10c: {  	v7 =	vnsel vm11, $0x0, v2;
	v5 =	vnsel vm14, $0x0, v2;
	v11 =	vnsel vm15, $0x0, v1  }
0x10d: {  	vm15 =	vnez.u8 v4;
	v16 =	vnsel vm0, $0x0, v1;
	vm0 =	vnez.u8 v10  }
0x10e: {  	s8 =	sadd.s32 $0xFFFFFFFF, s8;
	[tilespmem:$0x1FF30] =	vst v19;
	v4 =	vnsel vm15, $0x0, v1;
	v14 =	vadd.f32 v14, v16;
	v10 =	vnsel vm0, $0x0, v1  }
.LBB2_3:
0x10f: {  	v0 =	vnsel vm5, $0x0, v2;
	[tilespmem:$0x980] =	vst v15;
	v62 =	vadd.f32 v5, v4  }
0x110: {  	v16 =	vld [tilespmem:$0x1FF20];
	v44 =	vnsel vm10, $0x0, v2;
	v0 =	vadd.f32 v0, v11;
	[tilespmem:$0xF80] =	vst v14  }
0x111: {  	v45 =	vnsel vm13, $0x0, v2;
	v46 =	vld [tilespmem:$0x1FF00];
	v11 =	vadd.f32 v44, v13;
	[tilespmem:$0xE80] =	vst v62  }
0x112: {  	v47 =	vnsel vm7, $0x0, v2;
	v49 =	vnsel vm1, $0x0, v2;
	v60 =	vld [tilespmem:$0x1FF10];
	v9 =	vadd.f32 v45, v9;
	[tilespmem:$0xC00] =	vst v0  }
0x113: {  	v53 =	vnsel vm8, $0x0, v2;
	v55 =	vnsel vm9, $0x0, v2;
	v57 =	vld [tilespmem:$0x1FF30];
	v52 =	vadd.f32 v49, v8;
	[tilespmem:$0xB00] =	vst v11  }
0x114: {  	v48 =	vld [tilespmem:$0x1FEF0];
	v56 =	vnsel vm4, $0x0, v2;
	v58 =	vnsel vm6, $0x0, v1;
	v8 =	vadd.f32 v53, v10;
	[tilespmem:$0xA00] =	vst v9  }
0x115: {  	v51 =	vld [tilespmem:$0x1FF40];
	v59 =	vnsel vm2, $0x0, v2;
	v3 =	vadd.f32 v55, v3;
	[tilespmem:$0xD80] =	vst v52;
	vm0 =	vnez.u8 v16  }
0x116: {  	v6 =	vadd.f32 v6, v58;
	[tilespmem:$0x880] =	vst v8;
	vm11 =	vnez.u8 v46;
	v16 =	vnsel vm0, $0x0, v1  }
0x117: {  	[tilespmem:$0xF00] =	vst v3;
	vm15 =	vnez.u8 v60;
	v0 =	vnsel vm11, $0x0, v1;
	v12 =	vadd.f32 v12, v16  }
0x118: {  	[tilespmem:$0x800] =	vst v6;
	vm14 =	vnez.u8 v57;
	v61 =	vnsel vm15, $0x0, v1;
	v0 =	vadd.f32 v47, v0  }
0x119: {  	vm12 =	vnez.u8 v48;
	v10 =	vnsel vm14, $0x0, v1;
	v63 =	vadd.f32 v59, v61;
	[tilespmem:$0xC80] =	vst v12  }
0x11a: {  	vm13 =	vnez.u8 v51;
	v12 =	vnsel vm12, $0x0, v1;
	[tilespmem:$0xA80] =	vst v0;
	v0 =	vadd.f32 v56, v10  }
0x11b: {  	v50 =	vnsel vm3, $0x0, v2;
	[tilespmem:$0xB80] =	vst v63;
	v7 =	vadd.f32 v7, v12;
	v12 =	vnsel vm13, $0x0, v1  }
0x11c: {  	v54 =	vadd.f32 v50, v12;
	[tilespmem:$0xD00] =	vst v0  }
0x11d: {  	[tilespmem:$0x900] =	vst v7  }
0x11e: {  	[tilespmem:$0xE00] =	vst v54  }
0x11f: {  	[hbm4b:s6+s2] =	stream.linear.scatter [tilespmem:s7], [sflag:$0x1], $0x800, $0x38;
	[tilespmem:$0x1000] =	vst v63  }
0x120: {  	_ =	swait.ge [sflag:s3], $0x800  }
0x121: {  	[sflag:s3] =	ssyncset.done $0x0  }
0x122: {  	[sflag:s3] =	ssyncadd.s32 $0xFFFFF800  }
.LBB2_4:
0x123: {  	_ =	sfence.sel $0x180000  }
0x124: {  	[bflag:$0x0] =	sbarrier.arrive $0xFFFF  }
0x125: {  	p0 =	sne.s32 s1, $0x0;
	_ =	strace $0x90000047  }
0x126: {  	s0 =	sadd.s32 @!p0 $0x100000, s0;
	[bflag:$0x2] =	sbarrier.arrive $0xFFFF  }
0x127: {  	[sflag:s0] =	ssyncadd.tile.s32 @!p0 $0x1;
	_ =	shalt  }
.Lfunc_end2:
_tile_overlayer_lowered:
.L_overlay_start_2:
0x128: {  	(tag) =	ssettag $0x2  }
0x129: {  	s0 =	rddreg [dreg:$0x0];
	s2 =	stileid.u32  }
0x12a: {  	s1 =	rddreg [dreg:$0x1];
	p0 =	sne.s32 s2, $0x0  }
0x12b: {  	s3 =	rddreg [dreg:$0x2];
	[bflag:$0x3] =	sbarrier.arrive $0xFFFF;
	s2 =	simm.s32 @!p0 $0x1C01  }
0x12c: {  	[timem:s3], [sflag:s2] =	dma.local @!p0 [hbm:s0], s1  }
0x12d: {  	s0 =	simm.s32 @!p0 $0x1  }
0x12e: {  	_ =	swait.ge @!p0 [sflag:s0], s1  }
0x12f: {  	s1 =	ssub.s32 @!p0 $0x0, s1;
	[sflag:s0] =	ssyncset.done @!p0 $0x0  }
0x130: {  	[sflag:s0] =	ssyncadd.s32 @!p0 s1  }
0x131: {  	[bflag:$0x3] =	sbarrier.arrive $0xFFFF  }
0x132: {  	_ =	shalt  }

</sc_bundles>
